<compile_context>
chip_gen: v7x
topology: tpu7x:2x2x1
jax: 0.10.2.dev20260603
libtpu: 0.0.44.dev20260713+nightly
codegen_flags: <defaults>
</compile_context>

<pallas_src>
import functools

import jax
import jax.numpy as jnp
from jax import lax
from jax.experimental import pallas as pl
from jax.experimental.pallas import tpu as pltpu
from jax.experimental.pallas import tpu_sc as plsc

B = 4096
L = 200
V = 21
VP = 32
D = 128
H = 10

NC, NS = 2, 16
NW = NC * NS
RPW = B // NW
RCH = RPW // 2

_mesh = plsc.VectorSubcoreMesh(core_axis_name="c", subcore_axis_name="s")

_C0S = [c0 for c0 in range(0, 192, 16)] + [L - 16]


@functools.partial(
    pl.kernel,
    mesh=_mesh,
    out_type=jax.ShapeDtypeStruct((NW, L, VP), jnp.float32),
    scratch_types=[
        pltpu.VMEM((RCH, L), jnp.int32),
        pltpu.VMEM((RCH, L), jnp.int32),
        pltpu.VMEM((L, VP), jnp.float32),
        pltpu.SemaphoreType.DMA,
        pltpu.SemaphoreType.DMA,
    ],
    compiler_params=pltpu.CompilerParams(needs_layout_passes=False),
)
def _sc_hist(x_hbm, out_hbm, xv0, xv1, cnt, sem0, sem1):
    wid = lax.axis_index("s") * NC + lax.axis_index("c")
    r0 = wid * RPW
    cp0 = pltpu.async_copy(x_hbm.at[pl.ds(r0, RCH)], xv0, sem0)
    cp1 = pltpu.async_copy(x_hbm.at[pl.ds(r0 + RCH, RCH)], xv1, sem1)

    zeros = jnp.zeros((16,), jnp.float32)

    @plsc.parallel_loop(0, L, unroll=8)
    def _zero(r):
        cnt[r, pl.ds(0, 16)] = zeros
        cnt[r, pl.ds(16, 16)] = zeros

    ones = jnp.ones((16,), jnp.float32)
    iota = lax.iota(jnp.int32, 16)
    lrows = [c0 + iota for c0 in _C0S]
    tail_mask = iota >= 8

    def scan_chunk(xv):
        @plsc.parallel_loop(0, RCH, unroll=4)
        def _scatter(r):
            for j, c0 in enumerate(_C0S[:-1]):
                v = xv[r, pl.ds(c0, 16)]
                plsc.addupdate_scatter(cnt, [lrows[j], v], ones)
            v = xv[r, pl.ds(_C0S[-1], 16)]
            plsc.addupdate_scatter(cnt, [lrows[-1], v], ones, mask=tail_mask)

    cp0.wait()
    scan_chunk(xv0)
    cp1.wait()
    scan_chunk(xv1)

    pltpu.sync_copy(cnt, out_hbm.at[wid])


def _mm(p, q, precision):
    return lax.dot_general(p, q,
                           dimension_numbers=(((1,), (0,)), ((), ())),
                           precision=precision,
                           preferred_element_type=jnp.float32)


def _tc_mlp_body(counts_ref, table_ref, w1_ref, b1_ref, w2_ref, b2_ref,
                 out_ref, a_ref):
    c = jnp.sum(counts_ref[...], axis=0)
    t = table_ref[...]
    a = c[:, 1:2] * t[1:2, :]
    for v in range(2, V):
        a = a + c[:, v:v + 1] * t[v:v + 1, :]
    a_ref[...] = a
    h = jnp.tanh(_mm(a, w1_ref[...], lax.Precision.DEFAULT)
                 + b1_ref[...].reshape(1, H))
    out_ref[...] = (_mm(h, w2_ref[...], lax.Precision.DEFAULT)
                    + b2_ref[...].reshape(1, D))


_tc_mlp = pl.pallas_call(
    _tc_mlp_body,
    out_shape=(
        jax.ShapeDtypeStruct((L, D), jnp.float32),
        jax.ShapeDtypeStruct((L, D), jnp.float32),
    ),
)


def kernel(x, table, W1, b1, W2, b2):
    counts = _sc_hist(x.astype(jnp.int32))
    out, a = _tc_mlp(counts, table, W1, b1, W2, b2)
    return out, a

# --- scband reference (transcript-rebuilt; emitter-appended) ---
"""Pipeline reference for scband-my-model-2241972929040 (READ-ONLY COPY).

The authoritative reference and input builder live on the scoring server;
editing this copy changes nothing except your own understanding.
"""

import jax, jax.numpy as jnp
import numpy as np


def setup_inputs(seed: int = 0) -> dict:
    key = jax.random.key(seed)
    ks = jax.random.split(key, 6)
    x = jax.random.randint(ks[0], (4096, 200), 0, 21)
    table = jax.random.normal(ks[1], (21, 128), dtype=jnp.float32)
    table = table.at[0].set(0.0)  # padding_idx=0
    W1 = jax.random.normal(ks[2], (128, 10), dtype=jnp.float32) * 0.05
    b1 = jnp.zeros((10,), dtype=jnp.float32)
    W2 = jax.random.normal(ks[3], (10, 128), dtype=jnp.float32) * 0.05
    b2 = jnp.zeros((128,), dtype=jnp.float32)
    return {"x": x, "table": table, "W1": W1, "b1": b1, "W2": W2, "b2": b2}


def reference(x, table, W1, b1, W2, b2):
    # embedding lookup with padding_idx=0 semantics (row 0 contributes zeros)
    mask = (x != 0).astype(table.dtype)[..., None]
    embed = jnp.take(table, x, axis=0) * mask  # [B, L, 128]
    a = jnp.sum(embed, axis=0)                 # [L, 128]
    h = jnp.tanh(a @ W1 + b1)                  # [L, 10]
    out = h @ W2 + b2                          # [L, 128]
    return (out, a)

if __name__ == "__main__":
    import jax
    _d = setup_inputs()
    print(jax.jit(kernel)(*tuple(_d.values())))

</pallas_src>

<mosaic_0001>
#map = affine_map<(d0, d1) -> (0, 0)>
#map1 = affine_map<(d0, d1) -> (0, 0, 0)>
module attributes {stable_mosaic.version = 14 : i64} {
  func.func @_sc_hist(%arg0: i32, %arg1: i32, %arg2: memref<4096x200xi32, #tpu.memory_space<hbm>>, %arg3: memref<32x200x32xf32, #tpu.memory_space<hbm>>, %arg4: memref<64x200xi32, #tpu.memory_space<vmem>>, %arg5: memref<64x200xi32, #tpu.memory_space<vmem>>, %arg6: memref<200x32xf32, #tpu.memory_space<vmem>>, %arg7: memref<!tpu.dma_semaphore, #tpu.memory_space<semaphore_mem>>, %arg8: memref<!tpu.dma_semaphore, #tpu.memory_space<semaphore_mem>>) attributes {dimension_semantics = [#tpu.dimension_semantics<core_parallel>, #tpu.dimension_semantics<subcore_parallel>], iteration_bounds = array<i64: 2, 16>, scalar_prefetch = 0 : i64, scratch_operands = 5 : i64, tpu.core_type = #tpu.core_type<sc_vector_subcore>, window_params = [{transform_indices = #map}, {transform_indices = #map1}]} {
    %mul3A = arith.constant 2 : i32
    %mul3A_0 = arith.muli %arg1, %mul3A : i32
    %add3A = arith.addi %mul3A_0, %arg0 : i32
    %mul3A_1 = arith.constant 128 : i32
    %mul3A_2 = arith.muli %add3A, %mul3A_1 : i32
    %dma_start3A = arith.constant 0 : i32
    %dma_start3A_3 = tpu.memref_slice %arg2[%mul3A_2, %dma_start3A] : memref<4096x200xi32, #tpu.memory_space<hbm>> -> memref<64x200xi32, #tpu.memory_space<hbm>>
    %dma_start3A_4 = arith.constant 0 : i32
    %dma_start3A_5 = tpu.memref_slice %arg2[%mul3A_2, %dma_start3A_4] : memref<4096x200xi32, #tpu.memory_space<hbm>> -> memref<64x200xi32, #tpu.memory_space<hbm>>
    tpu.enqueue_dma source(%dma_start3A_5 : memref<64x200xi32, #tpu.memory_space<hbm>>) target(%arg4 : memref<64x200xi32, #tpu.memory_space<vmem>>) target_semaphore(%arg7 : memref<!tpu.dma_semaphore, #tpu.memory_space<semaphore_mem>>)
    %add3A_6 = arith.constant 64 : i32
    %add3A_7 = arith.addi %mul3A_2, %add3A_6 : i32
    %dma_start3A_8 = arith.constant 0 : i32
    %dma_start3A_9 = tpu.memref_slice %arg2[%add3A_7, %dma_start3A_8] : memref<4096x200xi32, #tpu.memory_space<hbm>> -> memref<64x200xi32, #tpu.memory_space<hbm>>
    %dma_start3A_10 = arith.constant 0 : i32
    %dma_start3A_11 = tpu.memref_slice %arg2[%add3A_7, %dma_start3A_10] : memref<4096x200xi32, #tpu.memory_space<hbm>> -> memref<64x200xi32, #tpu.memory_space<hbm>>
    tpu.enqueue_dma source(%dma_start3A_11 : memref<64x200xi32, #tpu.memory_space<hbm>>) target(%arg5 : memref<64x200xi32, #tpu.memory_space<vmem>>) target_semaphore(%arg8 : memref<!tpu.dma_semaphore, #tpu.memory_space<semaphore_mem>>)
    %broadcast_in_dim3A = arith.constant 0.000000e+00 : f32
    %broadcast_in_dim3A_12 = vector.broadcast %broadcast_in_dim3A : f32 to vector<16xf32>
    %parallel_loop3A = arith.constant 0 : i32
    %parallel_loop3A_13 = arith.constant 200 : i32
    %parallel_loop3A_14 = arith.constant 1 : i32
    scf.for %parallel_loop3A_71 = %parallel_loop3A to %parallel_loop3A_13 step %parallel_loop3A_14  : i32 {
      %parallel_loop3A_72 = arith.index_cast %parallel_loop3A_71 : i32 to index
      %parallel_loop3A_73 = arith.constant 0 : index
      %parallel_loop3A_74 = tpu.vector_load %arg6[%parallel_loop3A_72, %parallel_loop3A_73] {strides = array<i32>} : memref<200x32xf32, #tpu.memory_space<vmem>>, vector<16xf32>,
      tpu.vector_store %arg6[%parallel_loop3A_72, %parallel_loop3A_73], %broadcast_in_dim3A_12 {strides = array<i32>} : memref<200x32xf32, #tpu.memory_space<vmem>>, vector<16xf32>,
      %parallel_loop3A_75 = arith.index_cast %parallel_loop3A_71 : i32 to index
      %parallel_loop3A_76 = arith.constant 16 : index
      %parallel_loop3A_77 = tpu.vector_load %arg6[%parallel_loop3A_75, %parallel_loop3A_76] {strides = array<i32>} : memref<200x32xf32, #tpu.memory_space<vmem>>, vector<16xf32>,
      tpu.vector_store %arg6[%parallel_loop3A_75, %parallel_loop3A_76], %broadcast_in_dim3A_12 {strides = array<i32>} : memref<200x32xf32, #tpu.memory_space<vmem>>, vector<16xf32>,
    } {sc.loop_unroll_factor = 8 : i64, sc.parallel_access}
    %broadcast_in_dim3A_15 = arith.constant 1.000000e+00 : f32
    %broadcast_in_dim3A_16 = vector.broadcast %broadcast_in_dim3A_15 : f32 to vector<16xf32>
    %iota3A = tpu.iota {dimensions = array<i32: 0>} : vector<16xi32>
    %add3A_17 = arith.constant 0 : i32
    %add3A_18 = vector.broadcast %add3A_17 : i32 to vector<16xi32>
    %add3A_19 = arith.addi %add3A_18, %iota3A : vector<16xi32>
    %add3A_20 = arith.constant 16 : i32
    %add3A_21 = vector.broadcast %add3A_20 : i32 to vector<16xi32>
    %add3A_22 = arith.addi %add3A_21, %iota3A : vector<16xi32>
    %add3A_23 = arith.constant 32 : i32
    %add3A_24 = vector.broadcast %add3A_23 : i32 to vector<16xi32>
    %add3A_25 = arith.addi %add3A_24, %iota3A : vector<16xi32>
    %add3A_26 = arith.constant 48 : i32
    %add3A_27 = vector.broadcast %add3A_26 : i32 to vector<16xi32>
    %add3A_28 = arith.addi %add3A_27, %iota3A : vector<16xi32>
    %add3A_29 = arith.constant 64 : i32
    %add3A_30 = vector.broadcast %add3A_29 : i32 to vector<16xi32>
    %add3A_31 = arith.addi %add3A_30, %iota3A : vector<16xi32>
    %add3A_32 = arith.constant 80 : i32
    %add3A_33 = vector.broadcast %add3A_32 : i32 to vector<16xi32>
    %add3A_34 = arith.addi %add3A_33, %iota3A : vector<16xi32>
    %add3A_35 = arith.constant 96 : i32
    %add3A_36 = vector.broadcast %add3A_35 : i32 to vector<16xi32>
    %add3A_37 = arith.addi %add3A_36, %iota3A : vector<16xi32>
    %add3A_38 = arith.constant 112 : i32
    %add3A_39 = vector.broadcast %add3A_38 : i32 to vector<16xi32>
    %add3A_40 = arith.addi %add3A_39, %iota3A : vector<16xi32>
    %add3A_41 = arith.constant 128 : i32
    %add3A_42 = vector.broadcast %add3A_41 : i32 to vector<16xi32>
    %add3A_43 = arith.addi %add3A_42, %iota3A : vector<16xi32>
    %add3A_44 = arith.constant 144 : i32
    %add3A_45 = vector.broadcast %add3A_44 : i32 to vector<16xi32>
    %add3A_46 = arith.addi %add3A_45, %iota3A : vector<16xi32>
    %add3A_47 = arith.constant 160 : i32
    %add3A_48 = vector.broadcast %add3A_47 : i32 to vector<16xi32>
    %add3A_49 = arith.addi %add3A_48, %iota3A : vector<16xi32>
    %add3A_50 = arith.constant 176 : i32
    %add3A_51 = vector.broadcast %add3A_50 : i32 to vector<16xi32>
    %add3A_52 = arith.addi %add3A_51, %iota3A : vector<16xi32>
    %add3A_53 = arith.constant 184 : i32
    %add3A_54 = vector.broadcast %add3A_53 : i32 to vector<16xi32>
    %add3A_55 = arith.addi %add3A_54, %iota3A : vector<16xi32>
    %ge3A = arith.constant 8 : i32
    %ge3A_56 = vector.broadcast %ge3A : i32 to vector<16xi32>
    %ge3A_57 = arith.cmpi sge, %iota3A, %ge3A_56 : vector<16xi32>
    %dma_wait3A = arith.constant 0 : i32
    %dma_wait3A_58 = tpu.memref_slice %arg2[%mul3A_2, %dma_wait3A] : memref<4096x200xi32, #tpu.memory_space<hbm>> -> memref<64x200xi32, #tpu.memory_space<hbm>>
    %dma_wait3A_59 = arith.constant 0 : i32
    %dma_wait3A_60 = tpu.memref_slice %arg2[%mul3A_2, %dma_wait3A_59] : memref<4096x200xi32, #tpu.memory_space<hbm>> -> memref<64x200xi32, #tpu.memory_space<hbm>>
    tpu.wait_dma2 semaphore(%arg7 : memref<!tpu.dma_semaphore, #tpu.memory_space<semaphore_mem>>) src(%dma_wait3A_60 : memref<64x200xi32, #tpu.memory_space<hbm>>) dst(%arg4 : memref<64x200xi32, #tpu.memory_space<vmem>>)
    %parallel_loop3A_61 = arith.constant 0 : i32
    %parallel_loop3A_62 = arith.constant 64 : i32
    %parallel_loop3A_63 = arith.constant 1 : i32
    scf.for %parallel_loop3A_71 = %parallel_loop3A_61 to %parallel_loop3A_62 step %parallel_loop3A_63  : i32 {
      %parallel_loop3A_72 = arith.index_cast %parallel_loop3A_71 : i32 to index
      %parallel_loop3A_73 = arith.constant 0 : index
      %parallel_loop3A_74 = tpu.vector_load %arg4[%parallel_loop3A_72, %parallel_loop3A_73] {strides = array<i32>} : memref<64x200xi32, #tpu.memory_space<vmem>>, vector<16xi32>,
      tpu.vector_store_idx %arg6[%add3A_19, %parallel_loop3A_74], %broadcast_in_dim3A_16 {add = true} : memref<200x32xf32, #tpu.memory_space<vmem>>[vector<16xi32>, vector<16xi32>], vector<16xf32>,
      %parallel_loop3A_75 = arith.index_cast %parallel_loop3A_71 : i32 to index
      %parallel_loop3A_76 = arith.constant 16 : index
      %parallel_loop3A_77 = tpu.vector_load %arg4[%parallel_loop3A_75, %parallel_loop3A_76] {strides = array<i32>} : memref<64x200xi32, #tpu.memory_space<vmem>>, vector<16xi32>,
      tpu.vector_store_idx %arg6[%add3A_22, %parallel_loop3A_77], %broadcast_in_dim3A_16 {add = true} : memref<200x32xf32, #tpu.memory_space<vmem>>[vector<16xi32>, vector<16xi32>], vector<16xf32>,
      %parallel_loop3A_78 = arith.index_cast %parallel_loop3A_71 : i32 to index
      %parallel_loop3A_79 = arith.constant 32 : index
      %parallel_loop3A_80 = tpu.vector_load %arg4[%parallel_loop3A_78, %parallel_loop3A_79] {strides = array<i32>} : memref<64x200xi32, #tpu.memory_space<vmem>>, vector<16xi32>,
      tpu.vector_store_idx %arg6[%add3A_25, %parallel_loop3A_80], %broadcast_in_dim3A_16 {add = true} : memref<200x32xf32, #tpu.memory_space<vmem>>[vector<16xi32>, vector<16xi32>], vector<16xf32>,
      %parallel_loop3A_81 = arith.index_cast %parallel_loop3A_71 : i32 to index
      %parallel_loop3A_82 = arith.constant 48 : index
      %parallel_loop3A_83 = tpu.vector_load %arg4[%parallel_loop3A_81, %parallel_loop3A_82] {strides = array<i32>} : memref<64x200xi32, #tpu.memory_space<vmem>>, vector<16xi32>,
      tpu.vector_store_idx %arg6[%add3A_28, %parallel_loop3A_83], %broadcast_in_dim3A_16 {add = true} : memref<200x32xf32, #tpu.memory_space<vmem>>[vector<16xi32>, vector<16xi32>], vector<16xf32>,
      %parallel_loop3A_84 = arith.index_cast %parallel_loop3A_71 : i32 to index
      %parallel_loop3A_85 = arith.constant 64 : index
      %parallel_loop3A_86 = tpu.vector_load %arg4[%parallel_loop3A_84, %parallel_loop3A_85] {strides = array<i32>} : memref<64x200xi32, #tpu.memory_space<vmem>>, vector<16xi32>,
      tpu.vector_store_idx %arg6[%add3A_31, %parallel_loop3A_86], %broadcast_in_dim3A_16 {add = true} : memref<200x32xf32, #tpu.memory_space<vmem>>[vector<16xi32>, vector<16xi32>], vector<16xf32>,
      %parallel_loop3A_87 = arith.index_cast %parallel_loop3A_71 : i32 to index
      %parallel_loop3A_88 = arith.constant 80 : index
      %parallel_loop3A_89 = tpu.vector_load %arg4[%parallel_loop3A_87, %parallel_loop3A_88] {strides = array<i32>} : memref<64x200xi32, #tpu.memory_space<vmem>>, vector<16xi32>,
      tpu.vector_store_idx %arg6[%add3A_34, %parallel_loop3A_89], %broadcast_in_dim3A_16 {add = true} : memref<200x32xf32, #tpu.memory_space<vmem>>[vector<16xi32>, vector<16xi32>], vector<16xf32>,
      %parallel_loop3A_90 = arith.index_cast %parallel_loop3A_71 : i32 to index
      %parallel_loop3A_91 = arith.constant 96 : index
      %parallel_loop3A_92 = tpu.vector_load %arg4[%parallel_loop3A_90, %parallel_loop3A_91] {strides = array<i32>} : memref<64x200xi32, #tpu.memory_space<vmem>>, vector<16xi32>,
      tpu.vector_store_idx %arg6[%add3A_37, %parallel_loop3A_92], %broadcast_in_dim3A_16 {add = true} : memref<200x32xf32, #tpu.memory_space<vmem>>[vector<16xi32>, vector<16xi32>], vector<16xf32>,
      %parallel_loop3A_93 = arith.index_cast %parallel_loop3A_71 : i32 to index
      %parallel_loop3A_94 = arith.constant 112 : index
      %parallel_loop3A_95 = tpu.vector_load %arg4[%parallel_loop3A_93, %parallel_loop3A_94] {strides = array<i32>} : memref<64x200xi32, #tpu.memory_space<vmem>>, vector<16xi32>,
      tpu.vector_store_idx %arg6[%add3A_40, %parallel_loop3A_95], %broadcast_in_dim3A_16 {add = true} : memref<200x32xf32, #tpu.memory_space<vmem>>[vector<16xi32>, vector<16xi32>], vector<16xf32>,
      %parallel_loop3A_96 = arith.index_cast %parallel_loop3A_71 : i32 to index
      %parallel_loop3A_97 = arith.constant 128 : index
      %parallel_loop3A_98 = tpu.vector_load %arg4[%parallel_loop3A_96, %parallel_loop3A_97] {strides = array<i32>} : memref<64x200xi32, #tpu.memory_space<vmem>>, vector<16xi32>,
      tpu.vector_store_idx %arg6[%add3A_43, %parallel_loop3A_98], %broadcast_in_dim3A_16 {add = true} : memref<200x32xf32, #tpu.memory_space<vmem>>[vector<16xi32>, vector<16xi32>], vector<16xf32>,
      %parallel_loop3A_99 = arith.index_cast %parallel_loop3A_71 : i32 to index
      %parallel_loop3A_100 = arith.constant 144 : index
      %parallel_loop3A_101 = tpu.vector_load %arg4[%parallel_loop3A_99, %parallel_loop3A_100] {strides = array<i32>} : memref<64x200xi32, #tpu.memory_space<vmem>>, vector<16xi32>,
      tpu.vector_store_idx %arg6[%add3A_46, %parallel_loop3A_101], %broadcast_in_dim3A_16 {add = true} : memref<200x32xf32, #tpu.memory_space<vmem>>[vector<16xi32>, vector<16xi32>], vector<16xf32>,
      %parallel_loop3A_102 = arith.index_cast %parallel_loop3A_71 : i32 to index
      %parallel_loop3A_103 = arith.constant 160 : index
      %parallel_loop3A_104 = tpu.vector_load %arg4[%parallel_loop3A_102, %parallel_loop3A_103] {strides = array<i32>} : memref<64x200xi32, #tpu.memory_space<vmem>>, vector<16xi32>,
      tpu.vector_store_idx %arg6[%add3A_49, %parallel_loop3A_104], %broadcast_in_dim3A_16 {add = true} : memref<200x32xf32, #tpu.memory_space<vmem>>[vector<16xi32>, vector<16xi32>], vector<16xf32>,
      %parallel_loop3A_105 = arith.index_cast %parallel_loop3A_71 : i32 to index
      %parallel_loop3A_106 = arith.constant 176 : index
      %parallel_loop3A_107 = tpu.vector_load %arg4[%parallel_loop3A_105, %parallel_loop3A_106] {strides = array<i32>} : memref<64x200xi32, #tpu.memory_space<vmem>>, vector<16xi32>,
      tpu.vector_store_idx %arg6[%add3A_52, %parallel_loop3A_107], %broadcast_in_dim3A_16 {add = true} : memref<200x32xf32, #tpu.memory_space<vmem>>[vector<16xi32>, vector<16xi32>], vector<16xf32>,
      %parallel_loop3A_108 = arith.index_cast %parallel_loop3A_71 : i32 to index
      %parallel_loop3A_109 = arith.constant 184 : index
      %parallel_loop3A_110 = tpu.vector_load %arg4[%parallel_loop3A_108, %parallel_loop3A_109] {strides = array<i32>} : memref<64x200xi32, #tpu.memory_space<vmem>>, vector<16xi32>,
      tpu.vector_store_idx %arg6[%add3A_55, %parallel_loop3A_110], %broadcast_in_dim3A_16 masked %ge3A_57 {add = true} : memref<200x32xf32, #tpu.memory_space<vmem>>[vector<16xi32>, vector<16xi32>], vector<16xf32>, vector<16xi1>
    } {sc.loop_unroll_factor = 4 : i64, sc.parallel_access}
    %dma_wait3A_64 = arith.constant 0 : i32
    %dma_wait3A_65 = tpu.memref_slice %arg2[%add3A_7, %dma_wait3A_64] : memref<4096x200xi32, #tpu.memory_space<hbm>> -> memref<64x200xi32, #tpu.memory_space<hbm>>
    %dma_wait3A_66 = arith.constant 0 : i32
    %dma_wait3A_67 = tpu.memref_slice %arg2[%add3A_7, %dma_wait3A_66] : memref<4096x200xi32, #tpu.memory_space<hbm>> -> memref<64x200xi32, #tpu.memory_space<hbm>>
    tpu.wait_dma2 semaphore(%arg8 : memref<!tpu.dma_semaphore, #tpu.memory_space<semaphore_mem>>) src(%dma_wait3A_67 : memref<64x200xi32, #tpu.memory_space<hbm>>) dst(%arg5 : memref<64x200xi32, #tpu.memory_space<vmem>>)
    %parallel_loop3A_68 = arith.constant 0 : i32
    %parallel_loop3A_69 = arith.constant 64 : i32
    %parallel_loop3A_70 = arith.constant 1 : i32
    scf.for %parallel_loop3A_71 = %parallel_loop3A_68 to %parallel_loop3A_69 step %parallel_loop3A_70  : i32 {
      %parallel_loop3A_72 = arith.index_cast %parallel_loop3A_71 : i32 to index
      %parallel_loop3A_73 = arith.constant 0 : index
      %parallel_loop3A_74 = tpu.vector_load %arg5[%parallel_loop3A_72, %parallel_loop3A_73] {strides = array<i32>} : memref<64x200xi32, #tpu.memory_space<vmem>>, vector<16xi32>,
      tpu.vector_store_idx %arg6[%add3A_19, %parallel_loop3A_74], %broadcast_in_dim3A_16 {add = true} : memref<200x32xf32, #tpu.memory_space<vmem>>[vector<16xi32>, vector<16xi32>], vector<16xf32>,
      %parallel_loop3A_75 = arith.index_cast %parallel_loop3A_71 : i32 to index
      %parallel_loop3A_76 = arith.constant 16 : index
      %parallel_loop3A_77 = tpu.vector_load %arg5[%parallel_loop3A_75, %parallel_loop3A_76] {strides = array<i32>} : memref<64x200xi32, #tpu.memory_space<vmem>>, vector<16xi32>,
      tpu.vector_store_idx %arg6[%add3A_22, %parallel_loop3A_77], %broadcast_in_dim3A_16 {add = true} : memref<200x32xf32, #tpu.memory_space<vmem>>[vector<16xi32>, vector<16xi32>], vector<16xf32>,
      %parallel_loop3A_78 = arith.index_cast %parallel_loop3A_71 : i32 to index
      %parallel_loop3A_79 = arith.constant 32 : index
      %parallel_loop3A_80 = tpu.vector_load %arg5[%parallel_loop3A_78, %parallel_loop3A_79] {strides = array<i32>} : memref<64x200xi32, #tpu.memory_space<vmem>>, vector<16xi32>,
      tpu.vector_store_idx %arg6[%add3A_25, %parallel_loop3A_80], %broadcast_in_dim3A_16 {add = true} : memref<200x32xf32, #tpu.memory_space<vmem>>[vector<16xi32>, vector<16xi32>], vector<16xf32>,
      %parallel_loop3A_81 = arith.index_cast %parallel_loop3A_71 : i32 to index
      %parallel_loop3A_82 = arith.constant 48 : index
      %parallel_loop3A_83 = tpu.vector_load %arg5[%parallel_loop3A_81, %parallel_loop3A_82] {strides = array<i32>} : memref<64x200xi32, #tpu.memory_space<vmem>>, vector<16xi32>,
      tpu.vector_store_idx %arg6[%add3A_28, %parallel_loop3A_83], %broadcast_in_dim3A_16 {add = true} : memref<200x32xf32, #tpu.memory_space<vmem>>[vector<16xi32>, vector<16xi32>], vector<16xf32>,
      %parallel_loop3A_84 = arith.index_cast %parallel_loop3A_71 : i32 to index
      %parallel_loop3A_85 = arith.constant 64 : index
      %parallel_loop3A_86 = tpu.vector_load %arg5[%parallel_loop3A_84, %parallel_loop3A_85] {strides = array<i32>} : memref<64x200xi32, #tpu.memory_space<vmem>>, vector<16xi32>,
      tpu.vector_store_idx %arg6[%add3A_31, %parallel_loop3A_86], %broadcast_in_dim3A_16 {add = true} : memref<200x32xf32, #tpu.memory_space<vmem>>[vector<16xi32>, vector<16xi32>], vector<16xf32>,
      %parallel_loop3A_87 = arith.index_cast %parallel_loop3A_71 : i32 to index
      %parallel_loop3A_88 = arith.constant 80 : index
      %parallel_loop3A_89 = tpu.vector_load %arg5[%parallel_loop3A_87, %parallel_loop3A_88] {strides = array<i32>} : memref<64x200xi32, #tpu.memory_space<vmem>>, vector<16xi32>,
      tpu.vector_store_idx %arg6[%add3A_34, %parallel_loop3A_89], %broadcast_in_dim3A_16 {add = true} : memref<200x32xf32, #tpu.memory_space<vmem>>[vector<16xi32>, vector<16xi32>], vector<16xf32>,
      %parallel_loop3A_90 = arith.index_cast %parallel_loop3A_71 : i32 to index
      %parallel_loop3A_91 = arith.constant 96 : index
      %parallel_loop3A_92 = tpu.vector_load %arg5[%parallel_loop3A_90, %parallel_loop3A_91] {strides = array<i32>} : memref<64x200xi32, #tpu.memory_space<vmem>>, vector<16xi32>,
      tpu.vector_store_idx %arg6[%add3A_37, %parallel_loop3A_92], %broadcast_in_dim3A_16 {add = true} : memref<200x32xf32, #tpu.memory_space<vmem>>[vector<16xi32>, vector<16xi32>], vector<16xf32>,
      %parallel_loop3A_93 = arith.index_cast %parallel_loop3A_71 : i32 to index
      %parallel_loop3A_94 = arith.constant 112 : index
      %parallel_loop3A_95 = tpu.vector_load %arg5[%parallel_loop3A_93, %parallel_loop3A_94] {strides = array<i32>} : memref<64x200xi32, #tpu.memory_space<vmem>>, vector<16xi32>,
      tpu.vector_store_idx %arg6[%add3A_40, %parallel_loop3A_95], %broadcast_in_dim3A_16 {add = true} : memref<200x32xf32, #tpu.memory_space<vmem>>[vector<16xi32>, vector<16xi32>], vector<16xf32>,
      %parallel_loop3A_96 = arith.index_cast %parallel_loop3A_71 : i32 to index
      %parallel_loop3A_97 = arith.constant 128 : index
      %parallel_loop3A_98 = tpu.vector_load %arg5[%parallel_loop3A_96, %parallel_loop3A_97] {strides = array<i32>} : memref<64x200xi32, #tpu.memory_space<vmem>>, vector<16xi32>,
      tpu.vector_store_idx %arg6[%add3A_43, %parallel_loop3A_98], %broadcast_in_dim3A_16 {add = true} : memref<200x32xf32, #tpu.memory_space<vmem>>[vector<16xi32>, vector<16xi32>], vector<16xf32>,
      %parallel_loop3A_99 = arith.index_cast %parallel_loop3A_71 : i32 to index
      %parallel_loop3A_100 = arith.constant 144 : index
      %parallel_loop3A_101 = tpu.vector_load %arg5[%parallel_loop3A_99, %parallel_loop3A_100] {strides = array<i32>} : memref<64x200xi32, #tpu.memory_space<vmem>>, vector<16xi32>,
      tpu.vector_store_idx %arg6[%add3A_46, %parallel_loop3A_101], %broadcast_in_dim3A_16 {add = true} : memref<200x32xf32, #tpu.memory_space<vmem>>[vector<16xi32>, vector<16xi32>], vector<16xf32>,
      %parallel_loop3A_102 = arith.index_cast %parallel_loop3A_71 : i32 to index
      %parallel_loop3A_103 = arith.constant 160 : index
      %parallel_loop3A_104 = tpu.vector_load %arg5[%parallel_loop3A_102, %parallel_loop3A_103] {strides = array<i32>} : memref<64x200xi32, #tpu.memory_space<vmem>>, vector<16xi32>,
      tpu.vector_store_idx %arg6[%add3A_49, %parallel_loop3A_104], %broadcast_in_dim3A_16 {add = true} : memref<200x32xf32, #tpu.memory_space<vmem>>[vector<16xi32>, vector<16xi32>], vector<16xf32>,
      %parallel_loop3A_105 = arith.index_cast %parallel_loop3A_71 : i32 to index
      %parallel_loop3A_106 = arith.constant 176 : index
      %parallel_loop3A_107 = tpu.vector_load %arg5[%parallel_loop3A_105, %parallel_loop3A_106] {strides = array<i32>} : memref<64x200xi32, #tpu.memory_space<vmem>>, vector<16xi32>,
      tpu.vector_store_idx %arg6[%add3A_52, %parallel_loop3A_107], %broadcast_in_dim3A_16 {add = true} : memref<200x32xf32, #tpu.memory_space<vmem>>[vector<16xi32>, vector<16xi32>], vector<16xf32>,
      %parallel_loop3A_108 = arith.index_cast %parallel_loop3A_71 : i32 to index
      %parallel_loop3A_109 = arith.constant 184 : index
      %parallel_loop3A_110 = tpu.vector_load %arg5[%parallel_loop3A_108, %parallel_loop3A_109] {strides = array<i32>} : memref<64x200xi32, #tpu.memory_space<vmem>>, vector<16xi32>,
      tpu.vector_store_idx %arg6[%add3A_55, %parallel_loop3A_110], %broadcast_in_dim3A_16 masked %ge3A_57 {add = true} : memref<200x32xf32, #tpu.memory_space<vmem>>[vector<16xi32>, vector<16xi32>], vector<16xf32>, vector<16xi1>
    } {sc.loop_unroll_factor = 4 : i64, sc.parallel_access}
    "tpu.region"() ({
      %run_scoped3A = tpu.sem_alloc : memref<!tpu.dma_semaphore, #tpu.memory_space<semaphore_mem>>
      %dma_start3A_71 = arith.constant 0 : i32
      %dma_start3A_72 = arith.constant 0 : i32
      %dma_start3A_73 = tpu.memref_slice %arg3[%add3A, %dma_start3A_71, %dma_start3A_72] : memref<32x200x32xf32, #tpu.memory_space<hbm>> -> memref<1x200x32xf32, #tpu.memory_space<hbm>>
      %dma_start3A_74 = tpu.memref_squeeze %dma_start3A_73 : memref<1x200x32xf32, #tpu.memory_space<hbm>> -> memref<200x32xf32, #tpu.memory_space<hbm>>
      %dma_start3A_75 = arith.constant 0 : i32
      %dma_start3A_76 = arith.constant 0 : i32
      %dma_start3A_77 = tpu.memref_slice %arg3[%add3A, %dma_start3A_75, %dma_start3A_76] : memref<32x200x32xf32, #tpu.memory_space<hbm>> -> memref<1x200x32xf32, #tpu.memory_space<hbm>>
      %dma_start3A_78 = tpu.memref_squeeze %dma_start3A_77 : memref<1x200x32xf32, #tpu.memory_space<hbm>> -> memref<200x32xf32, #tpu.memory_space<hbm>>
      tpu.enqueue_dma source(%arg6 : memref<200x32xf32, #tpu.memory_space<vmem>>) target(%dma_start3A_78 : memref<200x32xf32, #tpu.memory_space<hbm>>) target_semaphore(%run_scoped3A : memref<!tpu.dma_semaphore, #tpu.memory_space<semaphore_mem>>)
      %dma_wait3A_79 = arith.constant 0 : i32
      %dma_wait3A_80 = arith.constant 0 : i32
      %dma_wait3A_81 = tpu.memref_slice %arg3[%add3A, %dma_wait3A_79, %dma_wait3A_80] : memref<32x200x32xf32, #tpu.memory_space<hbm>> -> memref<1x200x32xf32, #tpu.memory_space<hbm>>
      %dma_wait3A_82 = tpu.memref_squeeze %dma_wait3A_81 : memref<1x200x32xf32, #tpu.memory_space<hbm>> -> memref<200x32xf32, #tpu.memory_space<hbm>>
      %dma_wait3A_83 = arith.constant 0 : i32
      %dma_wait3A_84 = arith.constant 0 : i32
      %dma_wait3A_85 = tpu.memref_slice %arg3[%add3A, %dma_wait3A_83, %dma_wait3A_84] : memref<32x200x32xf32, #tpu.memory_space<hbm>> -> memref<1x200x32xf32, #tpu.memory_space<hbm>>
      %dma_wait3A_86 = tpu.memref_squeeze %dma_wait3A_85 : memref<1x200x32xf32, #tpu.memory_space<hbm>> -> memref<200x32xf32, #tpu.memory_space<hbm>>
      tpu.wait_dma2 semaphore(%run_scoped3A : memref<!tpu.dma_semaphore, #tpu.memory_space<semaphore_mem>>) src(%arg6 : memref<200x32xf32, #tpu.memory_space<vmem>>) dst(%dma_wait3A_86 : memref<200x32xf32, #tpu.memory_space<hbm>>)
      tpu.yield
    }) : () -> ()
    return
  }
}

module attributes {stable_mosaic.version = 14 : i64} {
  func.func @_tc_mlp_body(%arg0: memref<32x200x32xf32, #tpu.memory_space<vmem>>, %arg1: memref<21x128xf32, #tpu.memory_space<vmem>>, %arg2: memref<128x10xf32, #tpu.memory_space<vmem>>, %arg3: memref<10xf32, #tpu.memory_space<vmem>>, %arg4: memref<10x128xf32, #tpu.memory_space<vmem>>, %arg5: memref<128xf32, #tpu.memory_space<vmem>>, %arg6: memref<200x128xf32, #tpu.memory_space<vmem>>, %arg7: memref<200x128xf32, #tpu.memory_space<vmem>>) attributes {dimension_semantics = [], scalar_prefetch = 0 : i64, scratch_operands = 0 : i64, tpu.core_type = #tpu.core_type<tc>} {
    %get3A = arith.constant 0 : index
    %get3A_0 = arith.constant 0 : index
    %get3A_1 = arith.constant 0 : index
    %get3A_2 = vector.load %arg0[%get3A, %get3A_0, %get3A_1] : memref<32x200x32xf32, #tpu.memory_space<vmem>>, vector<32x200x32xf32>
    %reduce_sum3A = arith.constant dense<0.000000e+00> : vector<200x32xf32>
    %reduce_sum3A_3 = vector.multi_reduction <add>, %get3A_2, %reduce_sum3A [0] : vector<32x200x32xf32> to vector<200x32xf32>
    %get3A_4 = arith.constant 0 : index
    %get3A_5 = arith.constant 0 : index
    %get3A_6 = vector.load %arg1[%get3A_4, %get3A_5] : memref<21x128xf32, #tpu.memory_space<vmem>>, vector<21x128xf32>
    %slice3A = vector.extract_strided_slice %reduce_sum3A_3 {offsets = [0, 1], sizes = [200, 1], strides = [1, 1]} : vector<200x32xf32> to vector<200x1xf32>
    %slice3A_7 = vector.extract_strided_slice %get3A_6 {offsets = [1, 0], sizes = [1, 128], strides = [1, 1]} : vector<21x128xf32> to vector<1x128xf32>
    %mul3A = vector.broadcast %slice3A : vector<200x1xf32> to vector<200x128xf32>
    %mul3A_8 = vector.broadcast %slice3A_7 : vector<1x128xf32> to vector<200x128xf32>
    %mul3A_9 = arith.mulf %mul3A, %mul3A_8 : vector<200x128xf32>
    %slice3A_10 = vector.extract_strided_slice %reduce_sum3A_3 {offsets = [0, 2], sizes = [200, 1], strides = [1, 1]} : vector<200x32xf32> to vector<200x1xf32>
    %slice3A_11 = vector.extract_strided_slice %get3A_6 {offsets = [2, 0], sizes = [1, 128], strides = [1, 1]} : vector<21x128xf32> to vector<1x128xf32>
    %mul3A_12 = vector.broadcast %slice3A_10 : vector<200x1xf32> to vector<200x128xf32>
    %mul3A_13 = vector.broadcast %slice3A_11 : vector<1x128xf32> to vector<200x128xf32>
    %mul3A_14 = arith.mulf %mul3A_12, %mul3A_13 : vector<200x128xf32>
    %add3A = arith.addf %mul3A_9, %mul3A_14 : vector<200x128xf32>
    %slice3A_15 = vector.extract_strided_slice %reduce_sum3A_3 {offsets = [0, 3], sizes = [200, 1], strides = [1, 1]} : vector<200x32xf32> to vector<200x1xf32>
    %slice3A_16 = vector.extract_strided_slice %get3A_6 {offsets = [3, 0], sizes = [1, 128], strides = [1, 1]} : vector<21x128xf32> to vector<1x128xf32>
    %mul3A_17 = vector.broadcast %slice3A_15 : vector<200x1xf32> to vector<200x128xf32>
    %mul3A_18 = vector.broadcast %slice3A_16 : vector<1x128xf32> to vector<200x128xf32>
    %mul3A_19 = arith.mulf %mul3A_17, %mul3A_18 : vector<200x128xf32>
    %add3A_20 = arith.addf %add3A, %mul3A_19 : vector<200x128xf32>
    %slice3A_21 = vector.extract_strided_slice %reduce_sum3A_3 {offsets = [0, 4], sizes = [200, 1], strides = [1, 1]} : vector<200x32xf32> to vector<200x1xf32>
    %slice3A_22 = vector.extract_strided_slice %get3A_6 {offsets = [4, 0], sizes = [1, 128], strides = [1, 1]} : vector<21x128xf32> to vector<1x128xf32>
    %mul3A_23 = vector.broadcast %slice3A_21 : vector<200x1xf32> to vector<200x128xf32>
    %mul3A_24 = vector.broadcast %slice3A_22 : vector<1x128xf32> to vector<200x128xf32>
    %mul3A_25 = arith.mulf %mul3A_23, %mul3A_24 : vector<200x128xf32>
    %add3A_26 = arith.addf %add3A_20, %mul3A_25 : vector<200x128xf32>
    %slice3A_27 = vector.extract_strided_slice %reduce_sum3A_3 {offsets = [0, 5], sizes = [200, 1], strides = [1, 1]} : vector<200x32xf32> to vector<200x1xf32>
    %slice3A_28 = vector.extract_strided_slice %get3A_6 {offsets = [5, 0], sizes = [1, 128], strides = [1, 1]} : vector<21x128xf32> to vector<1x128xf32>
    %mul3A_29 = vector.broadcast %slice3A_27 : vector<200x1xf32> to vector<200x128xf32>
    %mul3A_30 = vector.broadcast %slice3A_28 : vector<1x128xf32> to vector<200x128xf32>
    %mul3A_31 = arith.mulf %mul3A_29, %mul3A_30 : vector<200x128xf32>
    %add3A_32 = arith.addf %add3A_26, %mul3A_31 : vector<200x128xf32>
    %slice3A_33 = vector.extract_strided_slice %reduce_sum3A_3 {offsets = [0, 6], sizes = [200, 1], strides = [1, 1]} : vector<200x32xf32> to vector<200x1xf32>
    %slice3A_34 = vector.extract_strided_slice %get3A_6 {offsets = [6, 0], sizes = [1, 128], strides = [1, 1]} : vector<21x128xf32> to vector<1x128xf32>
    %mul3A_35 = vector.broadcast %slice3A_33 : vector<200x1xf32> to vector<200x128xf32>
    %mul3A_36 = vector.broadcast %slice3A_34 : vector<1x128xf32> to vector<200x128xf32>
    %mul3A_37 = arith.mulf %mul3A_35, %mul3A_36 : vector<200x128xf32>
    %add3A_38 = arith.addf %add3A_32, %mul3A_37 : vector<200x128xf32>
    %slice3A_39 = vector.extract_strided_slice %reduce_sum3A_3 {offsets = [0, 7], sizes = [200, 1], strides = [1, 1]} : vector<200x32xf32> to vector<200x1xf32>
    %slice3A_40 = vector.extract_strided_slice %get3A_6 {offsets = [7, 0], sizes = [1, 128], strides = [1, 1]} : vector<21x128xf32> to vector<1x128xf32>
    %mul3A_41 = vector.broadcast %slice3A_39 : vector<200x1xf32> to vector<200x128xf32>
    %mul3A_42 = vector.broadcast %slice3A_40 : vector<1x128xf32> to vector<200x128xf32>
    %mul3A_43 = arith.mulf %mul3A_41, %mul3A_42 : vector<200x128xf32>
    %add3A_44 = arith.addf %add3A_38, %mul3A_43 : vector<200x128xf32>
    %slice3A_45 = vector.extract_strided_slice %reduce_sum3A_3 {offsets = [0, 8], sizes = [200, 1], strides = [1, 1]} : vector<200x32xf32> to vector<200x1xf32>
    %slice3A_46 = vector.extract_strided_slice %get3A_6 {offsets = [8, 0], sizes = [1, 128], strides = [1, 1]} : vector<21x128xf32> to vector<1x128xf32>
    %mul3A_47 = vector.broadcast %slice3A_45 : vector<200x1xf32> to vector<200x128xf32>
    %mul3A_48 = vector.broadcast %slice3A_46 : vector<1x128xf32> to vector<200x128xf32>
    %mul3A_49 = arith.mulf %mul3A_47, %mul3A_48 : vector<200x128xf32>
    %add3A_50 = arith.addf %add3A_44, %mul3A_49 : vector<200x128xf32>
    %slice3A_51 = vector.extract_strided_slice %reduce_sum3A_3 {offsets = [0, 9], sizes = [200, 1], strides = [1, 1]} : vector<200x32xf32> to vector<200x1xf32>
    %slice3A_52 = vector.extract_strided_slice %get3A_6 {offsets = [9, 0], sizes = [1, 128], strides = [1, 1]} : vector<21x128xf32> to vector<1x128xf32>
    %mul3A_53 = vector.broadcast %slice3A_51 : vector<200x1xf32> to vector<200x128xf32>
    %mul3A_54 = vector.broadcast %slice3A_52 : vector<1x128xf32> to vector<200x128xf32>
    %mul3A_55 = arith.mulf %mul3A_53, %mul3A_54 : vector<200x128xf32>
    %add3A_56 = arith.addf %add3A_50, %mul3A_55 : vector<200x128xf32>
    %slice3A_57 = vector.extract_strided_slice %reduce_sum3A_3 {offsets = [0, 10], sizes = [200, 1], strides = [1, 1]} : vector<200x32xf32> to vector<200x1xf32>
    %slice3A_58 = vector.extract_strided_slice %get3A_6 {offsets = [10, 0], sizes = [1, 128], strides = [1, 1]} : vector<21x128xf32> to vector<1x128xf32>
    %mul3A_59 = vector.broadcast %slice3A_57 : vector<200x1xf32> to vector<200x128xf32>
    %mul3A_60 = vector.broadcast %slice3A_58 : vector<1x128xf32> to vector<200x128xf32>
    %mul3A_61 = arith.mulf %mul3A_59, %mul3A_60 : vector<200x128xf32>
    %add3A_62 = arith.addf %add3A_56, %mul3A_61 : vector<200x128xf32>
    %slice3A_63 = vector.extract_strided_slice %reduce_sum3A_3 {offsets = [0, 11], sizes = [200, 1], strides = [1, 1]} : vector<200x32xf32> to vector<200x1xf32>
    %slice3A_64 = vector.extract_strided_slice %get3A_6 {offsets = [11, 0], sizes = [1, 128], strides = [1, 1]} : vector<21x128xf32> to vector<1x128xf32>
    %mul3A_65 = vector.broadcast %slice3A_63 : vector<200x1xf32> to vector<200x128xf32>
    %mul3A_66 = vector.broadcast %slice3A_64 : vector<1x128xf32> to vector<200x128xf32>
    %mul3A_67 = arith.mulf %mul3A_65, %mul3A_66 : vector<200x128xf32>
    %add3A_68 = arith.addf %add3A_62, %mul3A_67 : vector<200x128xf32>
    %slice3A_69 = vector.extract_strided_slice %reduce_sum3A_3 {offsets = [0, 12], sizes = [200, 1], strides = [1, 1]} : vector<200x32xf32> to vector<200x1xf32>
    %slice3A_70 = vector.extract_strided_slice %get3A_6 {offsets = [12, 0], sizes = [1, 128], strides = [1, 1]} : vector<21x128xf32> to vector<1x128xf32>
    %mul3A_71 = vector.broadcast %slice3A_69 : vector<200x1xf32> to vector<200x128xf32>
    %mul3A_72 = vector.broadcast %slice3A_70 : vector<1x128xf32> to vector<200x128xf32>
    %mul3A_73 = arith.mulf %mul3A_71, %mul3A_72 : vector<200x128xf32>
    %add3A_74 = arith.addf %add3A_68, %mul3A_73 : vector<200x128xf32>
    %slice3A_75 = vector.extract_strided_slice %reduce_sum3A_3 {offsets = [0, 13], sizes = [200, 1], strides = [1, 1]} : vector<200x32xf32> to vector<200x1xf32>
    %slice3A_76 = vector.extract_strided_slice %get3A_6 {offsets = [13, 0], sizes = [1, 128], strides = [1, 1]} : vector<21x128xf32> to vector<1x128xf32>
    %mul3A_77 = vector.broadcast %slice3A_75 : vector<200x1xf32> to vector<200x128xf32>
    %mul3A_78 = vector.broadcast %slice3A_76 : vector<1x128xf32> to vector<200x128xf32>
    %mul3A_79 = arith.mulf %mul3A_77, %mul3A_78 : vector<200x128xf32>
    %add3A_80 = arith.addf %add3A_74, %mul3A_79 : vector<200x128xf32>
    %slice3A_81 = vector.extract_strided_slice %reduce_sum3A_3 {offsets = [0, 14], sizes = [200, 1], strides = [1, 1]} : vector<200x32xf32> to vector<200x1xf32>
    %slice3A_82 = vector.extract_strided_slice %get3A_6 {offsets = [14, 0], sizes = [1, 128], strides = [1, 1]} : vector<21x128xf32> to vector<1x128xf32>
    %mul3A_83 = vector.broadcast %slice3A_81 : vector<200x1xf32> to vector<200x128xf32>
    %mul3A_84 = vector.broadcast %slice3A_82 : vector<1x128xf32> to vector<200x128xf32>
    %mul3A_85 = arith.mulf %mul3A_83, %mul3A_84 : vector<200x128xf32>
    %add3A_86 = arith.addf %add3A_80, %mul3A_85 : vector<200x128xf32>
    %slice3A_87 = vector.extract_strided_slice %reduce_sum3A_3 {offsets = [0, 15], sizes = [200, 1], strides = [1, 1]} : vector<200x32xf32> to vector<200x1xf32>
    %slice3A_88 = vector.extract_strided_slice %get3A_6 {offsets = [15, 0], sizes = [1, 128], strides = [1, 1]} : vector<21x128xf32> to vector<1x128xf32>
    %mul3A_89 = vector.broadcast %slice3A_87 : vector<200x1xf32> to vector<200x128xf32>
    %mul3A_90 = vector.broadcast %slice3A_88 : vector<1x128xf32> to vector<200x128xf32>
    %mul3A_91 = arith.mulf %mul3A_89, %mul3A_90 : vector<200x128xf32>
    %add3A_92 = arith.addf %add3A_86, %mul3A_91 : vector<200x128xf32>
    %slice3A_93 = vector.extract_strided_slice %reduce_sum3A_3 {offsets = [0, 16], sizes = [200, 1], strides = [1, 1]} : vector<200x32xf32> to vector<200x1xf32>
    %slice3A_94 = vector.extract_strided_slice %get3A_6 {offsets = [16, 0], sizes = [1, 128], strides = [1, 1]} : vector<21x128xf32> to vector<1x128xf32>
    %mul3A_95 = vector.broadcast %slice3A_93 : vector<200x1xf32> to vector<200x128xf32>
    %mul3A_96 = vector.broadcast %slice3A_94 : vector<1x128xf32> to vector<200x128xf32>
    %mul3A_97 = arith.mulf %mul3A_95, %mul3A_96 : vector<200x128xf32>
    %add3A_98 = arith.addf %add3A_92, %mul3A_97 : vector<200x128xf32>
    %slice3A_99 = vector.extract_strided_slice %reduce_sum3A_3 {offsets = [0, 17], sizes = [200, 1], strides = [1, 1]} : vector<200x32xf32> to vector<200x1xf32>
    %slice3A_100 = vector.extract_strided_slice %get3A_6 {offsets = [17, 0], sizes = [1, 128], strides = [1, 1]} : vector<21x128xf32> to vector<1x128xf32>
    %mul3A_101 = vector.broadcast %slice3A_99 : vector<200x1xf32> to vector<200x128xf32>
    %mul3A_102 = vector.broadcast %slice3A_100 : vector<1x128xf32> to vector<200x128xf32>
    %mul3A_103 = arith.mulf %mul3A_101, %mul3A_102 : vector<200x128xf32>
    %add3A_104 = arith.addf %add3A_98, %mul3A_103 : vector<200x128xf32>
    %slice3A_105 = vector.extract_strided_slice %reduce_sum3A_3 {offsets = [0, 18], sizes = [200, 1], strides = [1, 1]} : vector<200x32xf32> to vector<200x1xf32>
    %slice3A_106 = vector.extract_strided_slice %get3A_6 {offsets = [18, 0], sizes = [1, 128], strides = [1, 1]} : vector<21x128xf32> to vector<1x128xf32>
    %mul3A_107 = vector.broadcast %slice3A_105 : vector<200x1xf32> to vector<200x128xf32>
    %mul3A_108 = vector.broadcast %slice3A_106 : vector<1x128xf32> to vector<200x128xf32>
    %mul3A_109 = arith.mulf %mul3A_107, %mul3A_108 : vector<200x128xf32>
    %add3A_110 = arith.addf %add3A_104, %mul3A_109 : vector<200x128xf32>
    %slice3A_111 = vector.extract_strided_slice %reduce_sum3A_3 {offsets = [0, 19], sizes = [200, 1], strides = [1, 1]} : vector<200x32xf32> to vector<200x1xf32>
    %slice3A_112 = vector.extract_strided_slice %get3A_6 {offsets = [19, 0], sizes = [1, 128], strides = [1, 1]} : vector<21x128xf32> to vector<1x128xf32>
    %mul3A_113 = vector.broadcast %slice3A_111 : vector<200x1xf32> to vector<200x128xf32>
    %mul3A_114 = vector.broadcast %slice3A_112 : vector<1x128xf32> to vector<200x128xf32>
    %mul3A_115 = arith.mulf %mul3A_113, %mul3A_114 : vector<200x128xf32>
    %add3A_116 = arith.addf %add3A_110, %mul3A_115 : vector<200x128xf32>
    %slice3A_117 = vector.extract_strided_slice %reduce_sum3A_3 {offsets = [0, 20], sizes = [200, 1], strides = [1, 1]} : vector<200x32xf32> to vector<200x1xf32>
    %slice3A_118 = vector.extract_strided_slice %get3A_6 {offsets = [20, 0], sizes = [1, 128], strides = [1, 1]} : vector<21x128xf32> to vector<1x128xf32>
    %mul3A_119 = vector.broadcast %slice3A_117 : vector<200x1xf32> to vector<200x128xf32>
    %mul3A_120 = vector.broadcast %slice3A_118 : vector<1x128xf32> to vector<200x128xf32>
    %mul3A_121 = arith.mulf %mul3A_119, %mul3A_120 : vector<200x128xf32>
    %add3A_122 = arith.addf %add3A_116, %mul3A_121 : vector<200x128xf32>
    %swap3A = arith.constant 0 : index
    %swap3A_123 = arith.constant 0 : index
    %swap3A_124 = vector.load %arg7[%swap3A, %swap3A_123] : memref<200x128xf32, #tpu.memory_space<vmem>>, vector<200x128xf32>
    tpu.vector_store %arg7[%swap3A, %swap3A_123], %add3A_122 {strides = array<i32>} : memref<200x128xf32, #tpu.memory_space<vmem>>, vector<200x128xf32>,
    %get3A_125 = arith.constant 0 : index
    %get3A_126 = arith.constant 0 : index
    %get3A_127 = vector.load %arg2[%get3A_125, %get3A_126] : memref<128x10xf32, #tpu.memory_space<vmem>>, vector<128x10xf32>
    %dot_general3A = arith.constant dense<0.000000e+00> : vector<200x10xf32>
    %dot_general3A_128 = tpu.matmul %add3A_122, %get3A_127, %dot_general3A {dimension_numbers = #tpu.dot_dimension_numbers<[1], [0], [0], [1], [0, 0, 1, 1], [], []>, transpose_lhs_hint = false} : vector<200x128xf32>, vector<128x10xf32>, vector<200x10xf32> -> vector<200x10xf32>
    %get3A_129 = arith.constant 0 : index
    %get3A_130 = vector.load %arg3[%get3A_129] : memref<10xf32, #tpu.memory_space<vmem>>, vector<10xf32>
    %reshape3A = vector.shape_cast %get3A_130 : vector<10xf32> to vector<1x10xf32>
    %add3A_131 = vector.broadcast %reshape3A : vector<1x10xf32> to vector<200x10xf32>
    %add3A_132 = arith.addf %dot_general3A_128, %add3A_131 : vector<200x10xf32>
    %tanh3A = math.tanh %add3A_132 : vector<200x10xf32>
    %get3A_133 = arith.constant 0 : index
    %get3A_134 = arith.constant 0 : index
    %get3A_135 = vector.load %arg4[%get3A_133, %get3A_134] : memref<10x128xf32, #tpu.memory_space<vmem>>, vector<10x128xf32>
    %dot_general3A_136 = arith.constant dense<0.000000e+00> : vector<200x128xf32>
    %dot_general3A_137 = tpu.matmul %tanh3A, %get3A_135, %dot_general3A_136 {dimension_numbers = #tpu.dot_dimension_numbers<[1], [0], [0], [1], [0, 0, 1, 1], [], []>, transpose_lhs_hint = false} : vector<200x10xf32>, vector<10x128xf32>, vector<200x128xf32> -> vector<200x128xf32>
    %get3A_138 = arith.constant 0 : index
    %get3A_139 = vector.load %arg5[%get3A_138] : memref<128xf32, #tpu.memory_space<vmem>>, vector<128xf32>
    %reshape3A_140 = vector.shape_cast %get3A_139 : vector<128xf32> to vector<1x128xf32>
    %add3A_141 = vector.broadcast %reshape3A_140 : vector<1x128xf32> to vector<200x128xf32>
    %add3A_142 = arith.addf %dot_general3A_137, %add3A_141 : vector<200x128xf32>
    %swap3A_143 = arith.constant 0 : index
    %swap3A_144 = arith.constant 0 : index
    %swap3A_145 = vector.load %arg6[%swap3A_143, %swap3A_144] : memref<200x128xf32, #tpu.memory_space<vmem>>, vector<200x128xf32>
    tpu.vector_store %arg6[%swap3A_143, %swap3A_144], %add3A_142 {strides = array<i32>} : memref<200x128xf32, #tpu.memory_space<vmem>>, vector<200x128xf32>,
    return
  }
}

</mosaic_0001>

<sc_bundles>
// kernel: kernel.4.cloned.1.call-start
scs
__scs_entry_jumppad:
0x0: {  	(pc) =	sbr.rel $0x88, $3  }
0x1: {  	(tag) =	ssettag $0x0;
	lr =	simm.s32 $0x1  }
0x2: {  	[smem:$0x3F9B] =	sst lr;
	_ =	strace $0xD0000000  }
0x3: {  	_ = 	snop  }
0x4: {  	_ = 	snop  }
0x5: {  	_ = 	snop  }
0x6: {  	_ = 	snop  }
0x7: {  	_ = 	snop  }
__scs_overlays_trampoline_lowered:
0x8: {  	[smem:$0x3FAA] =	sst s0  }
0x9: {  	[smem:$0x3FAB] =	sst s1  }
0xa: {  	[smem:$0x3FAC] =	sst s2  }
0xb: {  	[smem:$0x3FAD] =	sst s3  }
0xc: {  	[smem:$0x3FAE] =	sst s4  }
0xd: {  	[smem:$0x3FAF] =	sst s5  }
0xe: {  	[smem:$0x3FB0] =	sst s6  }
0xf: {  	[smem:$0x3FB1] =	sst s7  }
0x10: {  	[smem:$0x3FB2] =	sst s8  }
0x11: {  	[smem:$0x3FB3] =	sst s9;
	s0 =	simm.s32 @!p0 $0x0  }
0x12: {  	s1 =	sld [smem:$0x3F99];
	s0 =	simm.s32 @p0 $0x1  }
0x13: {  	[smem:$0x3FB4] =	sst s0;
	s0 =	simm.s32 @!p1 $0x0  }
0x14: {  	s2 =	sld [smem:$0x3F98];
	s0 =	simm.s32 @p1 $0x1  }
0x15: {  	[smem:$0x3FB5] =	sst s0;
	s0 =	simm.s32 @!p2 $0x0  }
0x16: {  	s3 =	sld [smem:$0x3FDB];
	s0 =	simm.s32 @p2 $0x1  }
0x17: {  	s4 =	simm.s32 $0x1BF5;
	[smem:$0x3FB7] =	sst s0  }
0x18: {  	s0 =	sld [smem:$0x3F9A];
	_ =	swait.ge [sflag:s4], $0x0  }
0x19: {  	s7 =	sld [smem:$0x3F9B]  }
0x1a: {  	s8 =	sadd.s32 $0xFFFFE003, lr  }
0x1b: {  	s9 =	sadd.s32 $0xFFFFFEF7, lr;
	s5 =	simm.s32 $0xFFFFFFFF;
	p2 =	slt.u32 s8, $0xFFFFF086  }
0x1c: {  	p1 =	slt.u32 s9, $0xF7A;
	s5 =	simm.s32 @!p2 $0x0  }
0x1d: {  	s5 =	simm.s32 @p1 $0x1;
	p0 =	seq.s32 s7, s2  }
0x1e: {  	s7 =	smul.u32 @!p0 $0xF7A, s2;
	p2 =	seq.s32 @!p0 s5, $0x0  }
0x1f: {  	s9 =	smul.u32 $0xF7A, s1;
	s8 =	simm.s32 @!p0 $0x1BF5;
	p2 =	por !p2, p0  }
0x20: {  	[sflag:s8] =	ssyncset.s32 @!p0 $0xFFFFF086;
	s6 =	sadd.s32 @!p0 s3, s7;
	s7 =	simm.s32 @!p0 $0x108  }
0x21: {  	s3 =	sadd.s32 s3, s9;
	s6 =	sadd.s32 @!p0 $0x88, s6;
	s7 =	simm.s32 @p2 $0x1082  }
0x22: {  	[simem:s7], [sflag:s8] =	dma.local @!p0 [hbm:s6], $0xF7A  }
0x23: {  	s9 =	sor.u32 $0xD0000000, s2;
	s6 =	simm.s32 $0x108;
	_ =	swait.ge @!p0 [sflag:s8], $0x0  }
0x24: {  	s3 =	sadd.s32 $0x88, s3;
	s6 =	simm.s32 @!p1 $0x1082;
	[sflag:s4] =	ssyncset.s32 $0xFFFFF086  }
0x25: {  	[simem:s6], [sflag:s4] =	dma.local [hbm:s3], $0xF7A  }
0x26: {  	[smem:$0x3F9B] =	sst s1;
	(tag) =	ssettag s2;
	_ =	strace s9  }
0x27: {  	s1 =	sld [smem:$0x3FAB]  }
0x28: {  	s2 =	sld [smem:$0x3FAC]  }
0x29: {  	s4 =	sld [smem:$0x3FAE]  }
0x2a: {  	p0 =	seq.s32 s5, $0x0;
	s5 =	sld [smem:$0x3FAF]  }
0x2b: {  	s6 =	sld [smem:$0x3FB0]  }
0x2c: {  	s7 =	sld [smem:$0x3FB1]  }
0x2d: {  	s3 =	simm.s32 $0x108;
	s8 =	sld [smem:$0x3FB2]  }
0x2e: {  	s3 =	simm.s32 @!p0 $0x1082;
	s9 =	sld [smem:$0x3FB3]  }
0x2f: {  	lr =	sadd.s32 s0, s3;
	s0 =	sld [smem:$0x3FAA]  }
0x30: {  	s3 =	sld [smem:$0x3FAD]  }
0x31: {  	[smem:$0x3FB6] =	sst s10  }
0x32: {  	s10 =	sld [smem:$0x3FB4];
	_ =	sdelay $0x3  }
0x33: {  	p0 =	seq.s32 s10, $0x1;
	s10 =	sld [smem:$0x3FB6];
	_ =	sdelay $0x3  }
0x34: {  	[smem:$0x3FB6] =	sst s10  }
0x35: {  	s10 =	sld [smem:$0x3FB5];
	_ =	sdelay $0x3  }
0x36: {  	p1 =	seq.s32 s10, $0x1;
	s10 =	sld [smem:$0x3FB6];
	_ =	sdelay $0x3  }
0x37: {  	[smem:$0x3FB6] =	sst s10  }
0x38: {  	s10 =	sld [smem:$0x3FB7]  }
0x39: {  	_ = 	snop;
	(pc) =	sbr.ind lr, $3  }
0x3a: {  	_ = 	snop  }
0x3b: {  	_ = 	snop  }
0x3c: {  	p2 =	seq.s32 s10, $0x1;
	s10 =	sld [smem:$0x3FB6]  }
0x3d: {  	_ =	shalt  }
0x3e: {  	_ =	shalt  }
0x3f: {  	_ =	shalt  }
0x40: {  	_ =	shalt  }
0x41: {  	_ =	shalt  }
0x42: {  	_ =	shalt  }
0x43: {  	_ =	shalt  }
0x44: {  	_ =	shalt  }
0x45: {  	_ =	shalt  }
0x46: {  	_ =	shalt  }
0x47: {  	_ =	shalt  }
0x48: {  	_ =	shalt  }
0x49: {  	_ =	shalt  }
0x4a: {  	_ =	shalt  }
0x4b: {  	_ =	shalt  }
0x4c: {  	_ =	shalt  }
0x4d: {  	_ =	shalt  }
0x4e: {  	_ =	shalt  }
0x4f: {  	_ =	shalt  }
0x50: {  	_ =	shalt  }
0x51: {  	_ =	shalt  }
0x52: {  	_ =	shalt  }
0x53: {  	_ =	shalt  }
0x54: {  	_ =	shalt  }
0x55: {  	_ =	shalt  }
0x56: {  	_ =	shalt  }
0x57: {  	_ =	shalt  }
0x58: {  	_ =	shalt  }
0x59: {  	_ =	shalt  }
0x5a: {  	_ =	shalt  }
0x5b: {  	_ =	shalt  }
0x5c: {  	_ =	shalt  }
0x5d: {  	_ =	shalt  }
0x5e: {  	_ =	shalt  }
0x5f: {  	_ =	shalt  }
0x60: {  	_ =	shalt  }
0x61: {  	_ =	shalt  }
0x62: {  	_ =	shalt  }
0x63: {  	_ =	shalt  }
0x64: {  	_ =	shalt  }
0x65: {  	_ =	shalt  }
0x66: {  	_ =	shalt  }
0x67: {  	_ =	shalt  }
0x68: {  	_ =	shalt  }
0x69: {  	_ =	shalt  }
0x6a: {  	_ =	shalt  }
0x6b: {  	_ =	shalt  }
0x6c: {  	_ =	shalt  }
0x6d: {  	_ =	shalt  }
0x6e: {  	_ =	shalt  }
0x6f: {  	_ =	shalt  }
0x70: {  	_ =	shalt  }
0x71: {  	_ =	shalt  }
0x72: {  	_ =	shalt  }
0x73: {  	_ =	shalt  }
0x74: {  	_ =	shalt  }
0x75: {  	_ =	shalt  }
0x76: {  	_ =	shalt  }
0x77: {  	_ =	shalt  }
0x78: {  	_ =	shalt  }
0x79: {  	_ =	shalt  }
0x7a: {  	_ =	shalt  }
0x7b: {  	_ =	shalt  }
0x7c: {  	_ =	shalt  }
0x7d: {  	_ =	shalt  }
0x7e: {  	_ =	shalt  }
0x7f: {  	_ =	shalt  }
0x80: {  	_ =	shalt  }
0x81: {  	_ =	shalt  }
0x82: {  	_ =	shalt  }
0x83: {  	_ =	shalt  }
0x84: {  	_ =	shalt  }
0x85: {  	_ =	shalt  }
0x86: {  	_ =	shalt  }
0x87: {  	_ =	shalt  }
.Lfunc_end0:
.L_simem_size_0:
called_computation_lowered:
.L_overlay_start_0:
0x88: {  	s2 =	sld [smem:$0x3FD9]  }
0x89: {  	s3 =	sld [smem:$0x3FFE];
	_ =	sdelay $0x1  }
0x8a: {  	s1 =	srdreg.scid  }
0x8b: {  	s0 =	sand.u32 $0x1, s1  }
0x8c: {  	s16 =	sshll.u32 s0, $0xA;
	s2 =	sadd.s32 s3, s2  }
0x8d: {  	s2 =	sadd.s32 s2, s16  }
0x8e: {  	[smem:$0x3FC2] =	sst s2  }
0x8f: {  	_ = 	snop  }
0x90: {  	(tm) =	ssettm $0x1  }
0x91: {  	s17 =	sld [smem:$0x3FFB];
	_ =	sdelay $0x3  }
0x92: {  	_ =	strace s17  }
0x93: {  	s2 =	sld [smem:$0x3FFC];
	_ =	sdelay $0x3  }
0x94: {  	_ =	strace s2  }
0x95: {  	s2 =	sld [smem:$0x3FFD];
	_ =	sdelay $0x3  }
0x96: {  	_ =	strace s2  }
0x97: {  	_ =	strace $0x8FFFFFFF  }
0x98: {  	s18 =	sld [smem:$0x3FDB];
	_ =	sdelay $0x1  }
0x99: {  	s19 =	simm.s32 $_scs_section_size  }
0x9a: {  	s4 =	simm.s32 $_size__tile_overlayer_lowered;
	s5 =	simm.s32 $_tile_overlayer_lowered  }
0x9b: {  	s22 =	simm.s32 $0x1BFF;
	s21 =	sshll.u32 s5, $0x1;
	s2 =	sadd.s32 s19, s18  }
0x9c: {  	s6 =	simm.s32 $0x0;
	s20 =	sshll.u32 s4, $0x1;
	s4 =	sadd.s32 s21, s2  }
0x9d: {  	[timem:s6], [sflag:s22] =	dma.local [hbm:s4], s20  }
0x9e: {  	_ =	swait.ge [sflag:s22], s20  }
0x9f: {  	s3 =	ssub.s32 $0x0, s20;
	[sflag:s22] =	ssyncset.done $0x0  }
0xa0: {  	[sflag:s22] =	ssyncadd.s32 s3;
	_ =	sdelay $0x1  }
0xa1: {  	s23 =	simm.s32 $0x1B8B  }
0xa2: {  	_ =	swait.ge [sflag:s23], $0x1  }
0xa3: {  	[sflag:s23] =	ssyncset.done $0x0  }
0xa4: {  	s25 =	simm.s32 $0x1B8E;
	s24 =	sld [smem:$0x3FFE];
	[sflag:s23] =	ssyncadd.s32 $0xFFFFFFFF  }
0xa5: {  	s26 =	simm.s32 $execute0_lowered;
	[smem:$0x3FD2] =	sst s25  }
0xa6: {  	s4 =	sshll.u32 s26, $0x1;
	_ =	strace $0x80000046;
	[dreg:$0x1] =	wrdreg $0xFFFFFFFF  }
0xa7: {  	s28 =	simm.s32 $_size_execute0_lowered;
	s2 =	sadd.s32 s2, s4;
	[dreg:$0x0] =	wrdreg $0x0  }
0xa8: {  	s4 =	sshll.u32 s28, $0x1;
	[dreg:$0x2] =	wrdreg s2  }
0xa9: {  	[dreg:$0x3] =	wrdreg s4  }
0xaa: {  	[dreg:$0x4] =	wrdreg $0xC0  }
0xab: {  	_ =	task [dreg:s6], $0x5FFFF  }
0xac: {  	[dreg:$0x1] =	wrdreg $0xFFFFFFFF  }
0xad: {  	[dreg:$0x0] =	wrdreg $0x60  }
0xae: {  	[dreg:$0x2] =	wrdreg s24  }
0xaf: {  	[dreg:$0x3] =	wrdreg $0x9  }
0xb0: {  	_ =	task.clear_ibuf [dreg:s6], $0x4FFFF;
	_ =	strace $0x90000046  }
0xb1: {  	s29 =	simm.s32 $0x9;
	_ =	strace $0x80000048  }
0xb2: {  	_ =	swait.ge [sflag:s29], $0x1  }
0xb3: {  	[sflag:s29] =	ssyncadd.s32 $0xFFFFFFFF  }
0xb4: {  	_ =	strace $0x90000048  }
0xb5: {  	_ =	sfence  }
0xb6: {  	s30 =	sld [smem:$0x0];
	_ =	sdelay $0x2  }
0xb7: {  	s31 =	sshll.u32 s1, $0xD;
	s1 =	sshrl.u32 s1, $0x2  }
0xb8: {  	s3 =	sand.u32 $0x4000, s31;
	s1 =	sadd.s32 s1, s30  }
0xb9: {  	s0 =	sor.u32 s3, s0;
	s1 =	sshll.u32 s1, $0x11  }
0xba: {  	s0 =	sor.u32 s1, s0  }
0xbb: {  	s0 =	sadd.s32 $0x8F2B, s0  }
0xbc: {  	[sflag:s0] =	ssyncadd.remote.s32 $0x1  }
0xbd: {  	_ =	sfence.sel $0xFFFF  }
0xbe: {  	[dreg:$0x0] =	wrdreg $0xFFFFFFFF;
	(pc) =	sbr.abs _section_cstart, $3  }
0xbf: {  	[dreg:$0x1] =	wrdreg $0xFFFFFFFF  }
0xc0: {  	_ =	task.clear_ibuf [dreg:s6], $0x2FFFF;
	_ =	strace $0x9FFFFFFF  }
0xc1: {  	(tm) =	ssettm $0x7FFFFFFF  }
tec
execute0_lowered:
.L_overlay_start_1:
0x0: {  	(tag) =	ssettag $0x1  }
0x1: {  	s3 =	rddreg [dreg:$0x0];
	s4 =	srdreg.scid  }
0x2: {  	s0 =	stileid.u32;
	s2 =	simm.s32 $0x0;
	s8 =	simm.s32 $0x1  }
0x3: {  	v0 =	vlaneseq.u32;
	s9 =	simm.s32 $0x8000;
	s10 =	simm.s32 $0x2;
	s11 =	simm.s32 $0x3  }
0x4: {  	s12 =	simm.s32 $0x0;
	s4 =	sand.u32 $0x1, s4;
	s5 =	sshll.u32 s0, $0x1;
	v0 =	vmul.u32 $0x80, v0  }
0x5: {  	v1 =	vimm.f32 $0.0e+00;
	v2 =	vimm.f32 $1.000000000e+00;
	vm0 =	vcmask $0x3F20;
	[smem:$0x7FF] =	sst s2;
	s5 =	sor.u32 s4, s5;
	s4 =	ssub.s32 $0x2, s4  }
0x6: {  	s6 =	sshll.u32 s5, $0xC;
	s5 =	smul.u32 $0xC80, s5;
	s7 =	sshrl.u32 s4, $0x1;
	v3 =	vor.u32 $0x800, v0;
	v4 =	vor.u32 $0x1000, v0;
	v5 =	vor.u32 $0x1800, v0  }
0x7: {  	_ =	strace $0x80000047;
	v6 =	vor.u32 $0x2000, v0;
	v7 =	vor.u32 $0x2800, v0;
	v8 =	vor.u32 $0x3000, v0;
	s6 =	sadd.s32 s6, s3;
	s7 =	ssub.s32 s4, s7  }
0x8: {  	v9 =	vor.u32 $0x3800, v0;
	v10 =	vor.u32 $0x4000, v0;
	v11 =	vor.u32 $0x4800, v0;
	s5 =	sadd.s32 s5, s3;
	s31 =	sadd.s32 $0x1000, s6;
	s4 =	sadd.s32 $0x1800, s6  }
0x9: {  	v12 =	vor.u32 $0x5000, v0;
	v13 =	vor.u32 $0x5800, v0;
	v14 =	vadd.s32 $0x5C00, v0;
	s6 =	smax.u32 s7, $0x1;
	[dreg:$0x2] =	wrdreg s31;
	s5 =	sadd.s32 $0x21000, s5  }
.LBB2_1:
0xa: {  	s0 =	rddreg [dreg:$0x2]  }
0xb: {  	[tilespmem:s2], [sflag:$0x1] =	stream.linear.gather [hbm4b:s0+s2], $0x4000, $0x38;
	[tilespmem:$0xE400] =	vst v63  }
0xc: {  	s31 =	simm.s32 $0x4000;
	s13 =	simm.s32 $0x8200  }
0xd: {  	[tilespmem:s31], [sflag:$0x2] =	stream.linear.gather [hbm4b:s4+s2], $0x4000, $0x38;
	[tilespmem:$0xE400] =	vst v63  }
0xe: {  	[tilespmem:s13+$0xFFFFFE00] =	vst v1  }
0xf: {  	[tilespmem:s13+$0x190] =	vst v1  }
0x10: {  	[tilespmem:s13+$0x180] =	vst v1  }
0x11: {  	[tilespmem:s13+$0x110] =	vst v1  }
0x12: {  	[tilespmem:s13+$0x100] =	vst v1  }
0x13: {  	[tilespmem:s13+$0x90] =	vst v1  }
0x14: {  	[tilespmem:s13+$0x80] =	vst v1  }
0x15: {  	[tilespmem:s13+$0x10] =	vst v1  }
0x16: {  	[tilespmem:s13+$0x0] =	vst v1  }
0x17: {  	[tilespmem:s13+$0xFFFFFF90] =	vst v1  }
0x18: {  	[tilespmem:s13+$0xFFFFFF80] =	vst v1  }
0x19: {  	[tilespmem:s13+$0xFFFFFF10] =	vst v1  }
0x1a: {  	[tilespmem:s13+$0xFFFFFF00] =	vst v1  }
0x1b: {  	[tilespmem:s13+$0xFFFFFE90] =	vst v1  }
0x1c: {  	s14 =	simm.s32 $0x0;
	[tilespmem:s13+$0xFFFFFE80] =	vst v1  }
.LBB2_2:
0x1d: {  	s14 =	sadd.s32 $0x8, s14;
	[tilespmem:s13+$0xFFFFFE10] =	vst v1;
	s13 =	sadd.s32 $0x400, s13  }
0x1e: {  	[tilespmem:s13+$0xFFFFFE00] =	vst v1;
	p0 =	slt.u32 s14, $0xC0  }
0x1f: {  	[tilespmem:s13+$0x190] =	vst v1  }
0x20: {  	[tilespmem:s13+$0x180] =	vst v1  }
0x21: {  	[tilespmem:s13+$0x110] =	vst v1  }
0x22: {  	[tilespmem:s13+$0x100] =	vst v1  }
0x23: {  	[tilespmem:s13+$0x90] =	vst v1  }
0x24: {  	[tilespmem:s13+$0x80] =	vst v1  }
0x25: {  	[tilespmem:s13+$0x10] =	vst v1  }
0x26: {  	[tilespmem:s13+$0x0] =	vst v1  }
0x27: {  	[tilespmem:s13+$0xFFFFFF90] =	vst v1  }
.Ltmp0:
0x28: {  	[tilespmem:s13+$0xFFFFFF80] =	vst v1;
	(pc) =	sbr.rel @p0 .LBB2_2-.Ltmp0, $4  }
0x29: {  	[tilespmem:s13+$0xFFFFFF10] =	vst v1  }
0x2a: {  	[tilespmem:s13+$0xFFFFFF00] =	vst v1  }
0x2b: {  	[tilespmem:s13+$0xFFFFFE90] =	vst v1  }
0x2c: {  	[tilespmem:s13+$0xFFFFFE80] =	vst v1  }
0x2d: {  	[tilespmem:s13+$0xFFFFFE10] =	vst v1  }
0x2e: {  	s3 =	simm.s32 $0x0;
	_ =	swait.ge [sflag:s8], $0x4000  }
0x2f: {  	s14 =	sand.u32 $0x3800, s3;
	s13 =	sand.u32 $0x200, s3;
	[sflag:s8] =	ssyncset.done $0x0  }
0x30: {  	s13 =	sor.u32 s13, s14;
	[sflag:s8] =	ssyncadd.s32 $0xFFFFC000  }
0x31: {  	v15 =	vld [tilespmem:s13+$0x180];
	_ =	sdelay $0x3  }
0x32: {  	v16 =	vld [tilespmem:s13+$0x0]  }
0x33: {  	v15 =	vadd.s32 v0, v15;
	_ =	sdelay $0x1  }
0x34: {  	v17 =	vld [tilespmem:s13+$0x80];
	_ =	sdelay $0x1  }
0x35: {  	v18 =	vld [tilespmem:s13+$0x100];
	v16 =	vadd.s32 v0, v16  }
0x36: {  	[tilespmem:v15+s9+$0x0] =	vst.idx.add.f32.msk $0xffff, v2  }
0x37: {  	v15 =	vld [tilespmem:s13+$0x190]  }
0x38: {  	v17 =	vadd.s32 v0, v17;
	_ =	sdelay $0x1  }
0x39: {  	[tilespmem:v16+s9+$0x0] =	vst.idx.add.f32.msk $0xffff, v2;
	v16 =	vadd.s32 v0, v18  }
0x3a: {  	v18 =	vld [tilespmem:s13+$0x10]  }
0x3b: {  	v15 =	vadd.s32 v3, v15  }
0x3c: {  	[tilespmem:v17+s9+$0x0] =	vst.idx.add.f32.msk $0xffff, v2  }
0x3d: {  	v17 =	vld [tilespmem:s13+$0x90]  }
0x3e: {  	[tilespmem:v16+s9+$0x0] =	vst.idx.add.f32.msk $0xffff, v2  }
0x3f: {  	v16 =	vadd.s32 v3, v18;
	v18 =	vld [tilespmem:s13+$0x110]  }
0x40: {  	[tilespmem:v15+s9+$0x0] =	vst.idx.add.f32.msk $0xffff, v2  }
0x41: {  	v15 =	vld [tilespmem:s13+$0x1A0]  }
0x42: {  	v17 =	vadd.s32 v3, v17;
	_ =	sdelay $0x1  }
0x43: {  	[tilespmem:v16+s9+$0x0] =	vst.idx.add.f32.msk $0xffff, v2;
	v16 =	vadd.s32 v3, v18  }
0x44: {  	v18 =	vld [tilespmem:s13+$0x20]  }
0x45: {  	v15 =	vadd.s32 v4, v15  }
0x46: {  	[tilespmem:v17+s9+$0x0] =	vst.idx.add.f32.msk $0xffff, v2  }
0x47: {  	v17 =	vld [tilespmem:s13+$0xA0]  }
0x48: {  	[tilespmem:v16+s9+$0x0] =	vst.idx.add.f32.msk $0xffff, v2  }
0x49: {  	v16 =	vadd.s32 v4, v18;
	v18 =	vld [tilespmem:s13+$0x120]  }
0x4a: {  	[tilespmem:v15+s9+$0x0] =	vst.idx.add.f32.msk $0xffff, v2  }
0x4b: {  	v15 =	vld [tilespmem:s13+$0x1B0]  }
0x4c: {  	v17 =	vadd.s32 v4, v17;
	_ =	sdelay $0x1  }
0x4d: {  	[tilespmem:v16+s9+$0x0] =	vst.idx.add.f32.msk $0xffff, v2;
	v18 =	vadd.s32 v4, v18  }
0x4e: {  	v16 =	vld [tilespmem:s13+$0x30]  }
0x4f: {  	v15 =	vadd.s32 v5, v15  }
0x50: {  	[tilespmem:v17+s9+$0x0] =	vst.idx.add.f32.msk $0xffff, v2  }
0x51: {  	v17 =	vld [tilespmem:s13+$0xB0]  }
0x52: {  	[tilespmem:v18+s9+$0x0] =	vst.idx.add.f32.msk $0xffff, v2  }
0x53: {  	v16 =	vadd.s32 v5, v16;
	v18 =	vld [tilespmem:s13+$0x130]  }
0x54: {  	[tilespmem:v15+s9+$0x0] =	vst.idx.add.f32.msk $0xffff, v2  }
0x55: {  	v15 =	vld [tilespmem:s13+$0x1C0]  }
0x56: {  	v17 =	vadd.s32 v5, v17;
	_ =	sdelay $0x1  }
0x57: {  	[tilespmem:v16+s9+$0x0] =	vst.idx.add.f32.msk $0xffff, v2;
	v18 =	vadd.s32 v5, v18  }
0x58: {  	v16 =	vld [tilespmem:s13+$0x40]  }
0x59: {  	v15 =	vadd.s32 v6, v15  }
0x5a: {  	[tilespmem:v17+s9+$0x0] =	vst.idx.add.f32.msk $0xffff, v2  }
0x5b: {  	v17 =	vld [tilespmem:s13+$0xC0]  }
0x5c: {  	[tilespmem:v18+s9+$0x0] =	vst.idx.add.f32.msk $0xffff, v2  }
0x5d: {  	v16 =	vadd.s32 v6, v16;
	v18 =	vld [tilespmem:s13+$0x140]  }
0x5e: {  	[tilespmem:v15+s9+$0x0] =	vst.idx.add.f32.msk $0xffff, v2  }
0x5f: {  	v15 =	vld [tilespmem:s13+$0x1D0]  }
0x60: {  	v17 =	vadd.s32 v6, v17;
	_ =	sdelay $0x1  }
0x61: {  	[tilespmem:v16+s9+$0x0] =	vst.idx.add.f32.msk $0xffff, v2;
	v18 =	vadd.s32 v6, v18  }
0x62: {  	v16 =	vld [tilespmem:s13+$0x50]  }
0x63: {  	v15 =	vadd.s32 v7, v15  }
0x64: {  	[tilespmem:v17+s9+$0x0] =	vst.idx.add.f32.msk $0xffff, v2  }
0x65: {  	v17 =	vld [tilespmem:s13+$0xD0]  }
0x66: {  	[tilespmem:v18+s9+$0x0] =	vst.idx.add.f32.msk $0xffff, v2  }
0x67: {  	v16 =	vadd.s32 v7, v16;
	v18 =	vld [tilespmem:s13+$0x150]  }
0x68: {  	[tilespmem:v15+s9+$0x0] =	vst.idx.add.f32.msk $0xffff, v2  }
0x69: {  	v15 =	vld [tilespmem:s13+$0x1E0]  }
0x6a: {  	v17 =	vadd.s32 v7, v17;
	_ =	sdelay $0x1  }
0x6b: {  	[tilespmem:v16+s9+$0x0] =	vst.idx.add.f32.msk $0xffff, v2;
	v18 =	vadd.s32 v7, v18  }
0x6c: {  	v16 =	vld [tilespmem:s13+$0x60]  }
0x6d: {  	v15 =	vadd.s32 v8, v15  }
0x6e: {  	[tilespmem:v17+s9+$0x0] =	vst.idx.add.f32.msk $0xffff, v2  }
0x6f: {  	v17 =	vld [tilespmem:s13+$0xE0]  }
0x70: {  	[tilespmem:v18+s9+$0x0] =	vst.idx.add.f32.msk $0xffff, v2  }
0x71: {  	v16 =	vadd.s32 v8, v16;
	v18 =	vld [tilespmem:s13+$0x160]  }
0x72: {  	[tilespmem:v15+s9+$0x0] =	vst.idx.add.f32.msk $0xffff, v2  }
0x73: {  	v15 =	vld [tilespmem:s13+$0x1F0]  }
0x74: {  	v17 =	vadd.s32 v8, v17;
	_ =	sdelay $0x1  }
0x75: {  	[tilespmem:v16+s9+$0x0] =	vst.idx.add.f32.msk $0xffff, v2;
	v18 =	vadd.s32 v8, v18  }
0x76: {  	v16 =	vld [tilespmem:s13+$0x70]  }
0x77: {  	p0 =	por $0x0, $0x0;
	s14 =	simm.s32 $0x1;
	v15 =	vadd.s32 v9, v15  }
0x78: {  	s14 =	simm.s32 @!p0 $0x0;
	[tilespmem:v17+s9+$0x0] =	vst.idx.add.f32.msk $0xffff, v2  }
0x79: {  	s14 =	sshll.u32 s14, $0x9;
	v17 =	vld [tilespmem:s13+$0xF0]  }
0x7a: {  	s16 =	sadd.s32 $0x0, s14;
	[tilespmem:v18+s9+$0x0] =	vst.idx.add.f32.msk $0xffff, v2  }
0x7b: {  	s23 =	sadd.s32 $0x180, s16;
	v16 =	vadd.s32 v9, v16;
	v18 =	vld [tilespmem:s13+$0x170]  }
0x7c: {  	s7 =	sor.u32 $0x400, s23;
	[tilespmem:v15+s9+$0x0] =	vst.idx.add.f32.msk $0xffff, v2  }
0x7d: {  	v15 =	vld [tilespmem:s7+$0x0];
	_ =	sdelay $0x1  }
0x7e: {  	v17 =	vadd.s32 v9, v17  }
0x7f: {  	s15 =	sor.u32 $0x400, s16;
	[tilespmem:v16+s9+$0x0] =	vst.idx.add.f32.msk $0xffff, v2  }
0x80: {  	v18 =	vadd.s32 v9, v18;
	v19 =	vld [tilespmem:s15+$0x0]  }
0x81: {  	v15 =	vadd.s32 v10, v15  }
0x82: {  	s18 =	sadd.s32 $0x80, s16  }
0x83: {  	[tilespmem:v17+s9+$0x0] =	vst.idx.add.f32.msk $0xffff, v2;
	s15 =	sor.u32 $0x400, s18  }
0x84: {  	s17 =	sadd.s32 $0x100, s16;
	s30 =	sor.u32 $0x410, s16;
	s26 =	sor.u32 $0x420, s16;
	v16 =	vld [tilespmem:s15+$0x0]  }
0x85: {  	s22 =	sor.u32 $0x430, s16;
	s19 =	sor.u32 $0x400, s17;
	s29 =	sor.u32 $0x410, s18;
	[tilespmem:v18+s9+$0x0] =	vst.idx.add.f32.msk $0xffff, v2;
	v18 =	vadd.s32 v10, v19  }
0x86: {  	s28 =	sor.u32 $0x410, s17;
	s25 =	sor.u32 $0x420, s18;
	s31 =	sor.u32 $0x410, s23;
	[tilespmem:v15+s9+$0x0] =	vst.idx.add.f32.msk $0xffff, v2  }
0x87: {  	s24 =	sor.u32 $0x420, s17;
	s21 =	sor.u32 $0x430, s18;
	s20 =	sor.u32 $0x430, s17;
	v15 =	vld [tilespmem:s31+$0x0]  }
0x88: {  	s14 =	sor.u32 $0x438, s17;
	s17 =	simm.s32 $0x400;
	s13 =	simm.s32 $0x0  }
0x89: {  	s15 =	sor.u32 $0x438, s18;
	s18 =	sor.u32 $0x438, s16;
	s16 =	simm.s32 $0x200;
	v17 =	vld [tilespmem:s19+$0x0]  }
.LBB2_4:
0x8a: {  	s19 =	sand.u32 $0x3800, s17;
	s31 =	sand.u32 $0x200, s16;
	s13 =	sadd.s32 $0x4, s13;
	[tilespmem:v18+s9+$0x0] =	vst.idx.add.f32.msk $0xffff, v2;
	v16 =	vadd.s32 v10, v16  }
0x8b: {  	s19 =	sor.u32 s31, s19;
	p1 =	slt.u32 s13, $0x3C;
	v18 =	vld [tilespmem:s30+$0x0]  }
0x8c: {  	v19 =	vld [tilespmem:s19+$0x180];
	v15 =	vadd.s32 v11, v15  }
0x8d: {  	v20 =	vld [tilespmem:s19+$0x0]  }
0x8e: {  	v21 =	vld [tilespmem:s19+$0x80];
	v17 =	vadd.s32 v10, v17  }
0x8f: {  	v22 =	vld [tilespmem:s19+$0x100]  }
0x90: {  	v18 =	vadd.s32 v11, v18;
	[tilespmem:v16+s9+$0x0] =	vst.idx.add.f32.msk $0xffff, v2  }
0x91: {  	s30 =	sor.u32 $0x420, s23;
	v16 =	vadd.s32 v0, v19;
	[tilespmem:v15+s9+$0x0] =	vst.idx.add.f32.msk $0xffff, v2  }
0x92: {  	v15 =	vadd.s32 v0, v20;
	v19 =	vld [tilespmem:s30+$0x0]  }
0x93: {  	v20 =	vadd.s32 v0, v21;
	[tilespmem:v17+s9+$0x0] =	vst.idx.add.f32.msk $0xffff, v2  }
0x94: {  	v17 =	vadd.s32 v0, v22;
	v21 =	vld [tilespmem:s29+$0x0]  }
0x95: {  	v22 =	vld [tilespmem:s28+$0x0]  }
0x96: {  	[tilespmem:v16+s9+$0x0] =	vst.idx.add.f32.msk $0xffff, v2  }
0x97: {  	v16 =	vld [tilespmem:s19+$0x190];
	v19 =	vadd.s32 v12, v19  }
0x98: {  	[tilespmem:v15+s9+$0x0] =	vst.idx.add.f32.msk $0xffff, v2  }
0x99: {  	[tilespmem:v20+s9+$0x0] =	vst.idx.add.f32.msk $0xffff, v2;
	v15 =	vadd.s32 v11, v21  }
0x9a: {  	[tilespmem:v17+s9+$0x0] =	vst.idx.add.f32.msk $0xffff, v2;
	v17 =	vadd.s32 v11, v22  }
0x9b: {  	v20 =	vld [tilespmem:s19+$0x10]  }
0x9c: {  	s28 =	sor.u32 $0x430, s23;
	v16 =	vadd.s32 v3, v16;
	[tilespmem:v19+s9+$0x0] =	vst.idx.add.f32.msk $0xffff, v2  }
0x9d: {  	v19 =	vld [tilespmem:s28+$0x0]  }
0x9e: {  	v21 =	vld [tilespmem:s19+$0x90]  }
0x9f: {  	v22 =	vld [tilespmem:s19+$0x110]  }
0xa0: {  	v20 =	vadd.s32 v3, v20;
	[tilespmem:v18+s9+$0x0] =	vst.idx.add.f32.msk $0xffff, v2  }
0xa1: {  	[tilespmem:v16+s9+$0x0] =	vst.idx.add.f32.msk $0xffff, v2  }
0xa2: {  	v16 =	vld [tilespmem:s19+$0x1A0];
	v18 =	vadd.s32 v13, v19  }
0xa3: {  	v19 =	vadd.s32 v3, v21;
	[tilespmem:v15+s9+$0x0] =	vst.idx.add.f32.msk $0xffff, v2  }
0xa4: {  	v15 =	vadd.s32 v3, v22;
	[tilespmem:v17+s9+$0x0] =	vst.idx.add.f32.msk $0xffff, v2  }
0xa5: {  	[tilespmem:v20+s9+$0x0] =	vst.idx.add.f32.msk $0xffff, v2  }
0xa6: {  	v17 =	vld [tilespmem:s19+$0x20]  }
0xa7: {  	s23 =	sor.u32 $0x438, s23;
	v16 =	vadd.s32 v4, v16;
	[tilespmem:v18+s9+$0x0] =	vst.idx.add.f32.msk $0xffff, v2  }
0xa8: {  	v18 =	vld [tilespmem:s23+$0x0]  }
0xa9: {  	[tilespmem:v19+s9+$0x0] =	vst.idx.add.f32.msk $0xffff, v2  }
0xaa: {  	[tilespmem:v15+s9+$0x0] =	vst.idx.add.f32.msk $0xffff, v2  }
0xab: {  	v15 =	vadd.s32 v4, v17;
	v17 =	vld [tilespmem:s19+$0xA0]  }
0xac: {  	[tilespmem:v16+s9+$0x0] =	vst.idx.add.f32.msk $0xffff, v2  }
0xad: {  	v16 =	vld [tilespmem:s19+$0x1B0];
	v18 =	vadd.s32 v14, v18  }
0xae: {  	v19 =	vld [tilespmem:s19+$0x120]  }
0xaf: {  	v20 =	vld [tilespmem:s26+$0x0]  }
0xb0: {  	[tilespmem:v15+s9+$0x0] =	vst.idx.add.f32.msk $0xffff, v2;
	v15 =	vadd.s32 v4, v17  }
0xb1: {  	v17 =	vld [tilespmem:s19+$0x30]  }
0xb2: {  	v16 =	vadd.s32 v5, v16;
	[tilespmem:v18+s9+$0x0] =	vst.idx.add.f32.msk vm0, v2  }
0xb3: {  	v18 =	vadd.s32 v4, v19;
	v19 =	vld [tilespmem:s25+$0x0]  }
0xb4: {  	v20 =	vadd.s32 v12, v20;
	v21 =	vld [tilespmem:s24+$0x0]  }
0xb5: {  	[tilespmem:v15+s9+$0x0] =	vst.idx.add.f32.msk $0xffff, v2  }
0xb6: {  	v15 =	vadd.s32 v5, v17;
	v17 =	vld [tilespmem:s19+$0xB0]  }
0xb7: {  	[tilespmem:v16+s9+$0x0] =	vst.idx.add.f32.msk $0xffff, v2  }
0xb8: {  	v16 =	vld [tilespmem:s19+$0x1C0];
	v19 =	vadd.s32 v12, v19  }
0xb9: {  	[tilespmem:v18+s9+$0x0] =	vst.idx.add.f32.msk $0xffff, v2;
	v18 =	vadd.s32 v12, v21  }
0xba: {  	v21 =	vld [tilespmem:s19+$0x130]  }
0xbb: {  	[tilespmem:v15+s9+$0x0] =	vst.idx.add.f32.msk $0xffff, v2;
	v15 =	vadd.s32 v5, v17  }
0xbc: {  	v17 =	vld [tilespmem:s19+$0x40]  }
0xbd: {  	v16 =	vadd.s32 v6, v16;
	[tilespmem:v20+s9+$0x0] =	vst.idx.add.f32.msk $0xffff, v2  }
0xbe: {  	[tilespmem:v19+s9+$0x0] =	vst.idx.add.f32.msk $0xffff, v2  }
0xbf: {  	v19 =	vadd.s32 v5, v21;
	[tilespmem:v18+s9+$0x0] =	vst.idx.add.f32.msk $0xffff, v2  }
0xc0: {  	[tilespmem:v15+s9+$0x0] =	vst.idx.add.f32.msk $0xffff, v2  }
0xc1: {  	v15 =	vadd.s32 v6, v17;
	v17 =	vld [tilespmem:s19+$0xC0]  }
0xc2: {  	[tilespmem:v16+s9+$0x0] =	vst.idx.add.f32.msk $0xffff, v2  }
0xc3: {  	v16 =	vld [tilespmem:s19+$0x1D0]  }
0xc4: {  	[tilespmem:v19+s9+$0x0] =	vst.idx.add.f32.msk $0xffff, v2  }
0xc5: {  	v18 =	vld [tilespmem:s19+$0x140]  }
0xc6: {  	[tilespmem:v15+s9+$0x0] =	vst.idx.add.f32.msk $0xffff, v2;
	v15 =	vadd.s32 v6, v17  }
0xc7: {  	v17 =	vld [tilespmem:s19+$0x50]  }
0xc8: {  	v16 =	vadd.s32 v7, v16;
	v19 =	vld [tilespmem:s22+$0x0]  }
0xc9: {  	v20 =	vld [tilespmem:s21+$0x0]  }
0xca: {  	v18 =	vadd.s32 v6, v18;
	v21 =	vld [tilespmem:s20+$0x0]  }
0xcb: {  	[tilespmem:v15+s9+$0x0] =	vst.idx.add.f32.msk $0xffff, v2  }
0xcc: {  	v15 =	vadd.s32 v7, v17;
	v17 =	vld [tilespmem:s19+$0xD0]  }
0xcd: {  	[tilespmem:v16+s9+$0x0] =	vst.idx.add.f32.msk $0xffff, v2;
	v16 =	vadd.s32 v13, v19  }
0xce: {  	v19 =	vld [tilespmem:s19+$0x1E0];
	v20 =	vadd.s32 v13, v20  }
0xcf: {  	[tilespmem:v18+s9+$0x0] =	vst.idx.add.f32.msk $0xffff, v2;
	v18 =	vadd.s32 v13, v21  }
0xd0: {  	v21 =	vld [tilespmem:s19+$0x150]  }
0xd1: {  	[tilespmem:v15+s9+$0x0] =	vst.idx.add.f32.msk $0xffff, v2;
	v15 =	vadd.s32 v7, v17  }
0xd2: {  	v17 =	vld [tilespmem:s19+$0x60]  }
0xd3: {  	v19 =	vadd.s32 v8, v19;
	[tilespmem:v16+s9+$0x0] =	vst.idx.add.f32.msk $0xffff, v2  }
0xd4: {  	[tilespmem:v20+s9+$0x0] =	vst.idx.add.f32.msk $0xffff, v2  }
0xd5: {  	v16 =	vadd.s32 v7, v21;
	[tilespmem:v18+s9+$0x0] =	vst.idx.add.f32.msk $0xffff, v2  }
0xd6: {  	[tilespmem:v15+s9+$0x0] =	vst.idx.add.f32.msk $0xffff, v2  }
0xd7: {  	v15 =	vadd.s32 v8, v17;
	v17 =	vld [tilespmem:s19+$0xE0]  }
0xd8: {  	[tilespmem:v19+s9+$0x0] =	vst.idx.add.f32.msk $0xffff, v2  }
0xd9: {  	v18 =	vld [tilespmem:s19+$0x1F0]  }
0xda: {  	[tilespmem:v16+s9+$0x0] =	vst.idx.add.f32.msk $0xffff, v2  }
0xdb: {  	v16 =	vld [tilespmem:s19+$0x160]  }
0xdc: {  	[tilespmem:v15+s9+$0x0] =	vst.idx.add.f32.msk $0xffff, v2;
	v15 =	vadd.s32 v8, v17  }
0xdd: {  	v17 =	vld [tilespmem:s19+$0x70]  }
0xde: {  	p0 =	por !p0, !p0;
	v18 =	vadd.s32 v9, v18;
	v19 =	vld [tilespmem:s18+$0x0];
	s18 =	simm.s32 $0x1  }
0xdf: {  	s18 =	simm.s32 @!p0 $0x0;
	v20 =	vld [tilespmem:s15+$0x0]  }
0xe0: {  	s15 =	sshll.u32 s18, $0x9;
	v16 =	vadd.s32 v8, v16;
	v21 =	vld [tilespmem:s14+$0x0]  }
0xe1: {  	s18 =	sadd.s32 s15, s17;
	[tilespmem:v15+s9+$0x0] =	vst.idx.add.f32.msk $0xffff, v2  }
0xe2: {  	v15 =	vadd.s32 v9, v17;
	v17 =	vld [tilespmem:s19+$0xF0];
	s14 =	sadd.s32 $0x80, s18;
	s31 =	sadd.s32 $0x100, s18;
	s23 =	sadd.s32 $0x180, s18  }
0xe3: {  	s0 =	sor.u32 $0x400, s14;
	s1 =	sor.u32 $0x400, s31;
	[tilespmem:v18+s9+$0x0] =	vst.idx.add.f32.msk $0xffff, v2;
	s15 =	sor.u32 $0x400, s23;
	v18 =	vadd.s32 v14, v19  }
0xe4: {  	s7 =	sor.u32 $0x400, s18;
	s29 =	sor.u32 $0x410, s14;
	s28 =	sor.u32 $0x410, s31;
	v19 =	vld [tilespmem:s15+$0x0];
	v20 =	vadd.s32 v14, v20  }
0xe5: {  	s30 =	sor.u32 $0x410, s18;
	s25 =	sor.u32 $0x420, s14;
	s24 =	sor.u32 $0x420, s31;
	[tilespmem:v16+s9+$0x0] =	vst.idx.add.f32.msk $0xffff, v2;
	v16 =	vadd.s32 v14, v21  }
0xe6: {  	s26 =	sor.u32 $0x420, s18;
	s21 =	sor.u32 $0x430, s14;
	s20 =	sor.u32 $0x430, s31;
	v21 =	vld [tilespmem:s19+$0x170]  }
0xe7: {  	s22 =	sor.u32 $0x430, s18;
	s15 =	sor.u32 $0x438, s14;
	s14 =	sor.u32 $0x438, s31;
	[tilespmem:v15+s9+$0x0] =	vst.idx.add.f32.msk $0xffff, v2;
	v15 =	vadd.s32 v9, v17  }
0xe8: {  	s18 =	sor.u32 $0x438, s18;
	v17 =	vld [tilespmem:s7+$0x0]  }
0xe9: {  	v19 =	vadd.s32 v10, v19;
	[tilespmem:v18+s9+$0x0] =	vst.idx.add.f32.msk vm0, v2  }
0xea: {  	[tilespmem:v20+s9+$0x0] =	vst.idx.add.f32.msk vm0, v2  }
0xeb: {  	v20 =	vadd.s32 v9, v21;
	[tilespmem:v16+s9+$0x0] =	vst.idx.add.f32.msk vm0, v2  }
0xec: {  	[tilespmem:v15+s9+$0x0] =	vst.idx.add.f32.msk $0xffff, v2  }
.Ltmp1:
0xed: {  	v18 =	vadd.s32 v10, v17;
	v16 =	vld [tilespmem:s0+$0x0];
	(pc) =	sbr.rel @p1 .LBB2_4-.Ltmp1, $4  }
0xee: {  	s0 =	sor.u32 $0x410, s23;
	[tilespmem:v19+s9+$0x0] =	vst.idx.add.f32.msk $0xffff, v2  }
0xef: {  	v15 =	vld [tilespmem:s0+$0x0]  }
0xf0: {  	[tilespmem:v20+s9+$0x0] =	vst.idx.add.f32.msk $0xffff, v2  }
0xf1: {  	s16 =	sadd.s32 $0x200, s16;
	s17 =	sadd.s32 $0x400, s17;
	v17 =	vld [tilespmem:s1+$0x0]  }
0xf2: {  	_ =	sdelay $0x1  }
0xf3: {  	v16 =	vadd.s32 v10, v16;
	_ =	sdelay $0x1  }
0xf4: {  	v17 =	vadd.s32 v10, v17  }
0xf5: {  	[tilespmem:v18+s9+$0x0] =	vst.idx.add.f32.msk $0xffff, v2  }
0xf6: {  	v18 =	vld [tilespmem:s30+$0x0]  }
0xf7: {  	[tilespmem:v16+s9+$0x0] =	vst.idx.add.f32.msk $0xffff, v2  }
0xf8: {  	v16 =	vld [tilespmem:s29+$0x0]  }
0xf9: {  	[tilespmem:v17+s9+$0x0] =	vst.idx.add.f32.msk $0xffff, v2  }
0xfa: {  	v15 =	vadd.s32 v11, v15;
	v17 =	vld [tilespmem:s28+$0x0];
	_ =	sdelay $0x1  }
0xfb: {  	v18 =	vadd.s32 v11, v18  }
0xfc: {  	v16 =	vadd.s32 v11, v16;
	_ =	sdelay $0x1  }
0xfd: {  	s0 =	sor.u32 $0x420, s23;
	[tilespmem:v15+s9+$0x0] =	vst.idx.add.f32.msk $0xffff, v2;
	v17 =	vadd.s32 v11, v17  }
0xfe: {  	v15 =	vld [tilespmem:s0+$0x0]  }
0xff: {  	[tilespmem:v18+s9+$0x0] =	vst.idx.add.f32.msk $0xffff, v2  }
0x100: {  	[tilespmem:v16+s9+$0x0] =	vst.idx.add.f32.msk $0xffff, v2  }
0x101: {  	v16 =	vld [tilespmem:s26+$0x0]  }
0x102: {  	[tilespmem:v17+s9+$0x0] =	vst.idx.add.f32.msk $0xffff, v2  }
0x103: {  	v17 =	vld [tilespmem:s25+$0x0]  }
0x104: {  	v15 =	vadd.s32 v12, v15;
	v18 =	vld [tilespmem:s24+$0x0];
	_ =	sdelay $0x1  }
0x105: {  	v16 =	vadd.s32 v12, v16;
	_ =	sdelay $0x1  }
0x106: {  	v17 =	vadd.s32 v12, v17  }
0x107: {  	s7 =	sor.u32 $0x430, s23;
	[tilespmem:v15+s9+$0x0] =	vst.idx.add.f32.msk $0xffff, v2;
	v18 =	vadd.s32 v12, v18  }
0x108: {  	v15 =	vld [tilespmem:s7+$0x0]  }
0x109: {  	[tilespmem:v16+s9+$0x0] =	vst.idx.add.f32.msk $0xffff, v2  }
0x10a: {  	v16 =	vld [tilespmem:s22+$0x0]  }
0x10b: {  	[tilespmem:v17+s9+$0x0] =	vst.idx.add.f32.msk $0xffff, v2  }
0x10c: {  	[tilespmem:v18+s9+$0x0] =	vst.idx.add.f32.msk $0xffff, v2  }
0x10d: {  	v17 =	vld [tilespmem:s21+$0x0]  }
0x10e: {  	v15 =	vadd.s32 v13, v15;
	v18 =	vld [tilespmem:s20+$0x0];
	_ =	sdelay $0x1  }
0x10f: {  	v16 =	vadd.s32 v13, v16;
	_ =	sdelay $0x1  }
0x110: {  	v17 =	vadd.s32 v13, v17  }
0x111: {  	s13 =	sor.u32 $0x438, s23;
	[tilespmem:v15+s9+$0x0] =	vst.idx.add.f32.msk $0xffff, v2;
	v18 =	vadd.s32 v13, v18  }
0x112: {  	v15 =	vld [tilespmem:s13+$0x0]  }
0x113: {  	[tilespmem:v16+s9+$0x0] =	vst.idx.add.f32.msk $0xffff, v2  }
0x114: {  	v16 =	vld [tilespmem:s18+$0x0]  }
0x115: {  	[tilespmem:v17+s9+$0x0] =	vst.idx.add.f32.msk $0xffff, v2  }
0x116: {  	[tilespmem:v18+s9+$0x0] =	vst.idx.add.f32.msk $0xffff, v2  }
0x117: {  	v17 =	vld [tilespmem:s15+$0x0]  }
0x118: {  	v18 =	vld [tilespmem:s14+$0x0];
	_ =	sdelay $0x1  }
0x119: {  	v15 =	vadd.s32 v14, v15  }
0x11a: {  	v16 =	vadd.s32 v14, v16  }
0x11b: {  	v17 =	vadd.s32 v14, v17  }
0x11c: {  	v18 =	vadd.s32 v14, v18;
	_ =	sdelay $0x1  }
0x11d: {  	[tilespmem:v15+s9+$0x0] =	vst.idx.add.f32.msk vm0, v2  }
0x11e: {  	[tilespmem:v16+s9+$0x0] =	vst.idx.add.f32.msk vm0, v2  }
0x11f: {  	[tilespmem:v17+s9+$0x0] =	vst.idx.add.f32.msk vm0, v2  }
0x120: {  	[tilespmem:v18+s9+$0x0] =	vst.idx.add.f32.msk vm0, v2  }
0x121: {  	s16 =	simm.s32 $0x0;
	_ =	swait.ge [sflag:s10], $0x4000  }
0x122: {  	s1 =	sand.u32 $0x3800, s16;
	s0 =	sand.u32 $0x200, s16;
	[sflag:s10] =	ssyncset.done $0x0  }
0x123: {  	s13 =	sor.u32 s0, s1;
	[sflag:s10] =	ssyncadd.s32 $0xFFFFC000  }
0x124: {  	v15 =	vld [tilespmem:s13+$0x4180];
	_ =	sdelay $0x3  }
0x125: {  	v16 =	vld [tilespmem:s13+$0x4000]  }
0x126: {  	v15 =	vadd.s32 v0, v15;
	_ =	sdelay $0x1  }
0x127: {  	v17 =	vld [tilespmem:s13+$0x4080];
	_ =	sdelay $0x1  }
0x128: {  	v18 =	vld [tilespmem:s13+$0x4100];
	v16 =	vadd.s32 v0, v16  }
0x129: {  	[tilespmem:v15+s9+$0x0] =	vst.idx.add.f32.msk $0xffff, v2  }
0x12a: {  	v15 =	vld [tilespmem:s13+$0x4190]  }
0x12b: {  	v17 =	vadd.s32 v0, v17;
	_ =	sdelay $0x1  }
0x12c: {  	[tilespmem:v16+s9+$0x0] =	vst.idx.add.f32.msk $0xffff, v2;
	v16 =	vadd.s32 v0, v18  }
0x12d: {  	v18 =	vld [tilespmem:s13+$0x4010]  }
0x12e: {  	v15 =	vadd.s32 v3, v15  }
0x12f: {  	[tilespmem:v17+s9+$0x0] =	vst.idx.add.f32.msk $0xffff, v2  }
0x130: {  	v17 =	vld [tilespmem:s13+$0x4090]  }
0x131: {  	[tilespmem:v16+s9+$0x0] =	vst.idx.add.f32.msk $0xffff, v2  }
0x132: {  	v16 =	vadd.s32 v3, v18;
	v18 =	vld [tilespmem:s13+$0x4110]  }
0x133: {  	[tilespmem:v15+s9+$0x0] =	vst.idx.add.f32.msk $0xffff, v2  }
0x134: {  	v15 =	vld [tilespmem:s13+$0x41A0]  }
0x135: {  	v17 =	vadd.s32 v3, v17;
	_ =	sdelay $0x1  }
0x136: {  	[tilespmem:v16+s9+$0x0] =	vst.idx.add.f32.msk $0xffff, v2;
	v16 =	vadd.s32 v3, v18  }
0x137: {  	v18 =	vld [tilespmem:s13+$0x4020]  }
0x138: {  	v15 =	vadd.s32 v4, v15  }
0x139: {  	[tilespmem:v17+s9+$0x0] =	vst.idx.add.f32.msk $0xffff, v2  }
0x13a: {  	v17 =	vld [tilespmem:s13+$0x40A0]  }
0x13b: {  	[tilespmem:v16+s9+$0x0] =	vst.idx.add.f32.msk $0xffff, v2  }
0x13c: {  	v16 =	vadd.s32 v4, v18;
	v18 =	vld [tilespmem:s13+$0x4120]  }
0x13d: {  	[tilespmem:v15+s9+$0x0] =	vst.idx.add.f32.msk $0xffff, v2  }
0x13e: {  	v15 =	vld [tilespmem:s13+$0x41B0]  }
0x13f: {  	v17 =	vadd.s32 v4, v17;
	_ =	sdelay $0x1  }
0x140: {  	[tilespmem:v16+s9+$0x0] =	vst.idx.add.f32.msk $0xffff, v2;
	v18 =	vadd.s32 v4, v18  }
0x141: {  	v16 =	vld [tilespmem:s13+$0x4030]  }
0x142: {  	v15 =	vadd.s32 v5, v15  }
0x143: {  	[tilespmem:v17+s9+$0x0] =	vst.idx.add.f32.msk $0xffff, v2  }
0x144: {  	v17 =	vld [tilespmem:s13+$0x40B0]  }
0x145: {  	[tilespmem:v18+s9+$0x0] =	vst.idx.add.f32.msk $0xffff, v2  }
0x146: {  	v16 =	vadd.s32 v5, v16;
	v18 =	vld [tilespmem:s13+$0x4130]  }
0x147: {  	[tilespmem:v15+s9+$0x0] =	vst.idx.add.f32.msk $0xffff, v2  }
0x148: {  	v15 =	vld [tilespmem:s13+$0x41C0]  }
0x149: {  	v17 =	vadd.s32 v5, v17;
	_ =	sdelay $0x1  }
0x14a: {  	[tilespmem:v16+s9+$0x0] =	vst.idx.add.f32.msk $0xffff, v2;
	v18 =	vadd.s32 v5, v18  }
0x14b: {  	v16 =	vld [tilespmem:s13+$0x4040]  }
0x14c: {  	v15 =	vadd.s32 v6, v15  }
0x14d: {  	[tilespmem:v17+s9+$0x0] =	vst.idx.add.f32.msk $0xffff, v2  }
0x14e: {  	v17 =	vld [tilespmem:s13+$0x40C0]  }
0x14f: {  	[tilespmem:v18+s9+$0x0] =	vst.idx.add.f32.msk $0xffff, v2  }
0x150: {  	v16 =	vadd.s32 v6, v16;
	v18 =	vld [tilespmem:s13+$0x4140]  }
0x151: {  	[tilespmem:v15+s9+$0x0] =	vst.idx.add.f32.msk $0xffff, v2  }
0x152: {  	v15 =	vld [tilespmem:s13+$0x41D0]  }
0x153: {  	v17 =	vadd.s32 v6, v17;
	_ =	sdelay $0x1  }
0x154: {  	[tilespmem:v16+s9+$0x0] =	vst.idx.add.f32.msk $0xffff, v2;
	v18 =	vadd.s32 v6, v18  }
0x155: {  	v16 =	vld [tilespmem:s13+$0x4050]  }
0x156: {  	v15 =	vadd.s32 v7, v15  }
0x157: {  	[tilespmem:v17+s9+$0x0] =	vst.idx.add.f32.msk $0xffff, v2  }
0x158: {  	v17 =	vld [tilespmem:s13+$0x40D0]  }
0x159: {  	[tilespmem:v18+s9+$0x0] =	vst.idx.add.f32.msk $0xffff, v2  }
0x15a: {  	v16 =	vadd.s32 v7, v16;
	v18 =	vld [tilespmem:s13+$0x4150]  }
0x15b: {  	[tilespmem:v15+s9+$0x0] =	vst.idx.add.f32.msk $0xffff, v2  }
0x15c: {  	v15 =	vld [tilespmem:s13+$0x41E0]  }
0x15d: {  	v17 =	vadd.s32 v7, v17;
	_ =	sdelay $0x1  }
0x15e: {  	[tilespmem:v16+s9+$0x0] =	vst.idx.add.f32.msk $0xffff, v2;
	v18 =	vadd.s32 v7, v18  }
0x15f: {  	v16 =	vld [tilespmem:s13+$0x4060]  }
0x160: {  	v15 =	vadd.s32 v8, v15  }
0x161: {  	[tilespmem:v17+s9+$0x0] =	vst.idx.add.f32.msk $0xffff, v2  }
0x162: {  	v17 =	vld [tilespmem:s13+$0x40E0]  }
0x163: {  	[tilespmem:v18+s9+$0x0] =	vst.idx.add.f32.msk $0xffff, v2  }
0x164: {  	v16 =	vadd.s32 v8, v16;
	v18 =	vld [tilespmem:s13+$0x4160]  }
0x165: {  	[tilespmem:v15+s9+$0x0] =	vst.idx.add.f32.msk $0xffff, v2  }
0x166: {  	v15 =	vld [tilespmem:s13+$0x41F0]  }
0x167: {  	v17 =	vadd.s32 v8, v17;
	_ =	sdelay $0x1  }
0x168: {  	[tilespmem:v16+s9+$0x0] =	vst.idx.add.f32.msk $0xffff, v2;
	v18 =	vadd.s32 v8, v18  }
0x169: {  	v16 =	vld [tilespmem:s13+$0x4070]  }
0x16a: {  	p0 =	por $0x0, $0x0;
	s0 =	simm.s32 $0x1;
	v15 =	vadd.s32 v9, v15  }
0x16b: {  	s0 =	simm.s32 @!p0 $0x0;
	[tilespmem:v17+s9+$0x0] =	vst.idx.add.f32.msk $0xffff, v2  }
0x16c: {  	s0 =	sshll.u32 s0, $0x9;
	v17 =	vld [tilespmem:s13+$0x40F0]  }
0x16d: {  	s0 =	sadd.s32 $0x0, s0;
	[tilespmem:v18+s9+$0x0] =	vst.idx.add.f32.msk $0xffff, v2  }
0x16e: {  	s23 =	sadd.s32 $0x180, s0;
	v16 =	vadd.s32 v9, v16;
	v18 =	vld [tilespmem:s13+$0x4170]  }
0x16f: {  	s17 =	sor.u32 $0x400, s23;
	[tilespmem:v15+s9+$0x0] =	vst.idx.add.f32.msk $0xffff, v2  }
0x170: {  	v15 =	vld [tilespmem:s17+$0x4000];
	_ =	sdelay $0x1  }
0x171: {  	v17 =	vadd.s32 v9, v17  }
0x172: {  	s18 =	sor.u32 $0x400, s0;
	[tilespmem:v16+s9+$0x0] =	vst.idx.add.f32.msk $0xffff, v2  }
0x173: {  	v18 =	vadd.s32 v9, v18;
	v19 =	vld [tilespmem:s18+$0x4000]  }
0x174: {  	v15 =	vadd.s32 v10, v15  }
0x175: {  	s7 =	sadd.s32 $0x80, s0  }
0x176: {  	s26 =	sor.u32 $0x400, s7;
	[tilespmem:v17+s9+$0x0] =	vst.idx.add.f32.msk $0xffff, v2  }
0x177: {  	s19 =	sadd.s32 $0x100, s0;
	s30 =	sor.u32 $0x410, s0;
	s22 =	sor.u32 $0x430, s0;
	v16 =	vld [tilespmem:s26+$0x4000]  }
0x178: {  	s16 =	sor.u32 $0x400, s19;
	s29 =	sor.u32 $0x410, s7;
	s28 =	sor.u32 $0x410, s19;
	[tilespmem:v18+s9+$0x0] =	vst.idx.add.f32.msk $0xffff, v2;
	v18 =	vadd.s32 v10, v19  }
0x179: {  	s25 =	sor.u32 $0x420, s7;
	s24 =	sor.u32 $0x420, s19;
	s31 =	sor.u32 $0x410, s23;
	[tilespmem:v15+s9+$0x0] =	vst.idx.add.f32.msk $0xffff, v2  }
0x17a: {  	s21 =	sor.u32 $0x430, s7;
	s20 =	sor.u32 $0x430, s19;
	s15 =	sor.u32 $0x438, s7;
	v15 =	vld [tilespmem:s31+$0x4000]  }
0x17b: {  	s14 =	sor.u32 $0x438, s19;
	s13 =	simm.s32 $0x0;
	s26 =	sor.u32 $0x420, s0  }
0x17c: {  	s18 =	sor.u32 $0x438, s0;
	s17 =	simm.s32 $0x400;
	v17 =	vld [tilespmem:s16+$0x4000];
	s16 =	simm.s32 $0x200  }
.LBB2_6:
0x17d: {  	s0 =	sand.u32 $0x3800, s17;
	s1 =	sand.u32 $0x200, s16;
	s13 =	sadd.s32 $0x4, s13;
	[tilespmem:v18+s9+$0x0] =	vst.idx.add.f32.msk $0xffff, v2;
	v16 =	vadd.s32 v10, v16  }
0x17e: {  	s19 =	sor.u32 s1, s0;
	p1 =	slt.u32 s13, $0x3C;
	v18 =	vld [tilespmem:s30+$0x4000]  }
0x17f: {  	v19 =	vld [tilespmem:s19+$0x4180];
	v15 =	vadd.s32 v11, v15  }
0x180: {  	v20 =	vld [tilespmem:s19+$0x4000]  }
0x181: {  	v21 =	vld [tilespmem:s19+$0x4080];
	v17 =	vadd.s32 v10, v17  }
0x182: {  	v22 =	vld [tilespmem:s19+$0x4100]  }
0x183: {  	v18 =	vadd.s32 v11, v18;
	[tilespmem:v16+s9+$0x0] =	vst.idx.add.f32.msk $0xffff, v2  }
0x184: {  	s0 =	sor.u32 $0x420, s23;
	v16 =	vadd.s32 v0, v19;
	[tilespmem:v15+s9+$0x0] =	vst.idx.add.f32.msk $0xffff, v2  }
0x185: {  	v15 =	vadd.s32 v0, v20;
	v19 =	vld [tilespmem:s0+$0x4000]  }
0x186: {  	v20 =	vadd.s32 v0, v21;
	[tilespmem:v17+s9+$0x0] =	vst.idx.add.f32.msk $0xffff, v2  }
0x187: {  	v17 =	vadd.s32 v0, v22;
	v21 =	vld [tilespmem:s29+$0x4000]  }
0x188: {  	v22 =	vld [tilespmem:s28+$0x4000]  }
0x189: {  	[tilespmem:v16+s9+$0x0] =	vst.idx.add.f32.msk $0xffff, v2  }
0x18a: {  	v16 =	vld [tilespmem:s19+$0x4190];
	v19 =	vadd.s32 v12, v19  }
0x18b: {  	[tilespmem:v15+s9+$0x0] =	vst.idx.add.f32.msk $0xffff, v2  }
0x18c: {  	[tilespmem:v20+s9+$0x0] =	vst.idx.add.f32.msk $0xffff, v2;
	v15 =	vadd.s32 v11, v21  }
0x18d: {  	[tilespmem:v17+s9+$0x0] =	vst.idx.add.f32.msk $0xffff, v2;
	v17 =	vadd.s32 v11, v22  }
0x18e: {  	v20 =	vld [tilespmem:s19+$0x4010]  }
0x18f: {  	s0 =	sor.u32 $0x430, s23;
	v16 =	vadd.s32 v3, v16;
	[tilespmem:v19+s9+$0x0] =	vst.idx.add.f32.msk $0xffff, v2  }
0x190: {  	v19 =	vld [tilespmem:s0+$0x4000]  }
0x191: {  	v21 =	vld [tilespmem:s19+$0x4090]  }
0x192: {  	v22 =	vld [tilespmem:s19+$0x4110]  }
0x193: {  	v20 =	vadd.s32 v3, v20;
	[tilespmem:v18+s9+$0x0] =	vst.idx.add.f32.msk $0xffff, v2  }
0x194: {  	[tilespmem:v16+s9+$0x0] =	vst.idx.add.f32.msk $0xffff, v2  }
0x195: {  	v16 =	vld [tilespmem:s19+$0x41A0];
	v18 =	vadd.s32 v13, v19  }
0x196: {  	v19 =	vadd.s32 v3, v21;
	[tilespmem:v15+s9+$0x0] =	vst.idx.add.f32.msk $0xffff, v2  }
0x197: {  	v15 =	vadd.s32 v3, v22;
	[tilespmem:v17+s9+$0x0] =	vst.idx.add.f32.msk $0xffff, v2  }
0x198: {  	[tilespmem:v20+s9+$0x0] =	vst.idx.add.f32.msk $0xffff, v2  }
0x199: {  	v17 =	vld [tilespmem:s19+$0x4020]  }
0x19a: {  	s0 =	sor.u32 $0x438, s23;
	v16 =	vadd.s32 v4, v16;
	[tilespmem:v18+s9+$0x0] =	vst.idx.add.f32.msk $0xffff, v2  }
0x19b: {  	v18 =	vld [tilespmem:s0+$0x4000]  }
0x19c: {  	[tilespmem:v19+s9+$0x0] =	vst.idx.add.f32.msk $0xffff, v2  }
0x19d: {  	[tilespmem:v15+s9+$0x0] =	vst.idx.add.f32.msk $0xffff, v2  }
0x19e: {  	v15 =	vadd.s32 v4, v17;
	v17 =	vld [tilespmem:s19+$0x40A0]  }
0x19f: {  	[tilespmem:v16+s9+$0x0] =	vst.idx.add.f32.msk $0xffff, v2  }
0x1a0: {  	v16 =	vld [tilespmem:s19+$0x41B0];
	v18 =	vadd.s32 v14, v18  }
0x1a1: {  	v19 =	vld [tilespmem:s19+$0x4120]  }
0x1a2: {  	v20 =	vld [tilespmem:s26+$0x4000]  }
0x1a3: {  	[tilespmem:v15+s9+$0x0] =	vst.idx.add.f32.msk $0xffff, v2;
	v15 =	vadd.s32 v4, v17  }
0x1a4: {  	v17 =	vld [tilespmem:s19+$0x4030]  }
0x1a5: {  	v16 =	vadd.s32 v5, v16;
	[tilespmem:v18+s9+$0x0] =	vst.idx.add.f32.msk vm0, v2  }
0x1a6: {  	v18 =	vadd.s32 v4, v19;
	v19 =	vld [tilespmem:s25+$0x4000]  }
0x1a7: {  	v20 =	vadd.s32 v12, v20;
	v21 =	vld [tilespmem:s24+$0x4000]  }
0x1a8: {  	[tilespmem:v15+s9+$0x0] =	vst.idx.add.f32.msk $0xffff, v2  }
0x1a9: {  	v15 =	vadd.s32 v5, v17;
	v17 =	vld [tilespmem:s19+$0x40B0]  }
0x1aa: {  	[tilespmem:v16+s9+$0x0] =	vst.idx.add.f32.msk $0xffff, v2  }
0x1ab: {  	v16 =	vld [tilespmem:s19+$0x41C0];
	v19 =	vadd.s32 v12, v19  }
0x1ac: {  	[tilespmem:v18+s9+$0x0] =	vst.idx.add.f32.msk $0xffff, v2;
	v18 =	vadd.s32 v12, v21  }
0x1ad: {  	v21 =	vld [tilespmem:s19+$0x4130]  }
0x1ae: {  	[tilespmem:v15+s9+$0x0] =	vst.idx.add.f32.msk $0xffff, v2;
	v15 =	vadd.s32 v5, v17  }
0x1af: {  	v17 =	vld [tilespmem:s19+$0x4040]  }
0x1b0: {  	v16 =	vadd.s32 v6, v16;
	[tilespmem:v20+s9+$0x0] =	vst.idx.add.f32.msk $0xffff, v2  }
0x1b1: {  	[tilespmem:v19+s9+$0x0] =	vst.idx.add.f32.msk $0xffff, v2  }
0x1b2: {  	v19 =	vadd.s32 v5, v21;
	[tilespmem:v18+s9+$0x0] =	vst.idx.add.f32.msk $0xffff, v2  }
0x1b3: {  	[tilespmem:v15+s9+$0x0] =	vst.idx.add.f32.msk $0xffff, v2  }
0x1b4: {  	v15 =	vadd.s32 v6, v17;
	v17 =	vld [tilespmem:s19+$0x40C0]  }
0x1b5: {  	[tilespmem:v16+s9+$0x0] =	vst.idx.add.f32.msk $0xffff, v2  }
0x1b6: {  	v16 =	vld [tilespmem:s19+$0x41D0]  }
0x1b7: {  	[tilespmem:v19+s9+$0x0] =	vst.idx.add.f32.msk $0xffff, v2  }
0x1b8: {  	v18 =	vld [tilespmem:s19+$0x4140]  }
0x1b9: {  	[tilespmem:v15+s9+$0x0] =	vst.idx.add.f32.msk $0xffff, v2;
	v15 =	vadd.s32 v6, v17  }
0x1ba: {  	v17 =	vld [tilespmem:s19+$0x4050]  }
0x1bb: {  	v16 =	vadd.s32 v7, v16;
	v19 =	vld [tilespmem:s22+$0x4000]  }
0x1bc: {  	v20 =	vld [tilespmem:s21+$0x4000]  }
0x1bd: {  	v18 =	vadd.s32 v6, v18;
	v21 =	vld [tilespmem:s20+$0x4000]  }
0x1be: {  	[tilespmem:v15+s9+$0x0] =	vst.idx.add.f32.msk $0xffff, v2  }
0x1bf: {  	v15 =	vadd.s32 v7, v17;
	v17 =	vld [tilespmem:s19+$0x40D0]  }
0x1c0: {  	[tilespmem:v16+s9+$0x0] =	vst.idx.add.f32.msk $0xffff, v2;
	v16 =	vadd.s32 v13, v19  }
0x1c1: {  	v19 =	vld [tilespmem:s19+$0x41E0];
	v20 =	vadd.s32 v13, v20  }
0x1c2: {  	[tilespmem:v18+s9+$0x0] =	vst.idx.add.f32.msk $0xffff, v2;
	v18 =	vadd.s32 v13, v21  }
0x1c3: {  	v21 =	vld [tilespmem:s19+$0x4150]  }
0x1c4: {  	[tilespmem:v15+s9+$0x0] =	vst.idx.add.f32.msk $0xffff, v2;
	v15 =	vadd.s32 v7, v17  }
0x1c5: {  	v17 =	vld [tilespmem:s19+$0x4060]  }
0x1c6: {  	v19 =	vadd.s32 v8, v19;
	[tilespmem:v16+s9+$0x0] =	vst.idx.add.f32.msk $0xffff, v2  }
0x1c7: {  	[tilespmem:v20+s9+$0x0] =	vst.idx.add.f32.msk $0xffff, v2  }
0x1c8: {  	v16 =	vadd.s32 v7, v21;
	[tilespmem:v18+s9+$0x0] =	vst.idx.add.f32.msk $0xffff, v2  }
0x1c9: {  	[tilespmem:v15+s9+$0x0] =	vst.idx.add.f32.msk $0xffff, v2  }
0x1ca: {  	v15 =	vadd.s32 v8, v17;
	v17 =	vld [tilespmem:s19+$0x40E0]  }
0x1cb: {  	[tilespmem:v19+s9+$0x0] =	vst.idx.add.f32.msk $0xffff, v2  }
0x1cc: {  	v18 =	vld [tilespmem:s19+$0x41F0]  }
0x1cd: {  	[tilespmem:v16+s9+$0x0] =	vst.idx.add.f32.msk $0xffff, v2  }
0x1ce: {  	v16 =	vld [tilespmem:s19+$0x4160]  }
0x1cf: {  	[tilespmem:v15+s9+$0x0] =	vst.idx.add.f32.msk $0xffff, v2;
	v15 =	vadd.s32 v8, v17  }
0x1d0: {  	v17 =	vld [tilespmem:s19+$0x4070]  }
0x1d1: {  	p0 =	por !p0, !p0;
	s0 =	simm.s32 $0x1;
	v18 =	vadd.s32 v9, v18;
	v19 =	vld [tilespmem:s18+$0x4000]  }
0x1d2: {  	s0 =	simm.s32 @!p0 $0x0;
	v20 =	vld [tilespmem:s15+$0x4000]  }
0x1d3: {  	s0 =	sshll.u32 s0, $0x9;
	v16 =	vadd.s32 v8, v16;
	v21 =	vld [tilespmem:s14+$0x4000]  }
0x1d4: {  	s0 =	sadd.s32 s0, s17;
	[tilespmem:v15+s9+$0x0] =	vst.idx.add.f32.msk $0xffff, v2  }
0x1d5: {  	s1 =	sadd.s32 $0x80, s0;
	s7 =	sadd.s32 $0x100, s0;
	s23 =	sadd.s32 $0x180, s0;
	v15 =	vadd.s32 v9, v17;
	v17 =	vld [tilespmem:s19+$0x40F0]  }
0x1d6: {  	s31 =	sor.u32 $0x400, s1;
	s3 =	sor.u32 $0x400, s7;
	s14 =	sor.u32 $0x400, s23;
	[tilespmem:v18+s9+$0x0] =	vst.idx.add.f32.msk $0xffff, v2;
	v18 =	vadd.s32 v14, v19  }
0x1d7: {  	s29 =	sor.u32 $0x410, s1;
	s28 =	sor.u32 $0x410, s7;
	s18 =	sor.u32 $0x400, s0;
	v19 =	vld [tilespmem:s14+$0x4000];
	v20 =	vadd.s32 v14, v20  }
0x1d8: {  	s30 =	sor.u32 $0x410, s0;
	s25 =	sor.u32 $0x420, s1;
	s24 =	sor.u32 $0x420, s7;
	[tilespmem:v16+s9+$0x0] =	vst.idx.add.f32.msk $0xffff, v2;
	v16 =	vadd.s32 v14, v21  }
0x1d9: {  	s26 =	sor.u32 $0x420, s0;
	s21 =	sor.u32 $0x430, s1;
	s20 =	sor.u32 $0x430, s7;
	v21 =	vld [tilespmem:s19+$0x4170]  }
0x1da: {  	s22 =	sor.u32 $0x430, s0;
	s15 =	sor.u32 $0x438, s1;
	s14 =	sor.u32 $0x438, s7;
	[tilespmem:v15+s9+$0x0] =	vst.idx.add.f32.msk $0xffff, v2;
	v15 =	vadd.s32 v9, v17  }
0x1db: {  	v17 =	vld [tilespmem:s18+$0x4000];
	s18 =	sor.u32 $0x438, s0  }
0x1dc: {  	v19 =	vadd.s32 v10, v19;
	[tilespmem:v18+s9+$0x0] =	vst.idx.add.f32.msk vm0, v2  }
0x1dd: {  	[tilespmem:v20+s9+$0x0] =	vst.idx.add.f32.msk vm0, v2  }
0x1de: {  	v20 =	vadd.s32 v9, v21;
	[tilespmem:v16+s9+$0x0] =	vst.idx.add.f32.msk vm0, v2  }
0x1df: {  	[tilespmem:v15+s9+$0x0] =	vst.idx.add.f32.msk $0xffff, v2  }
.Ltmp2:
0x1e0: {  	v18 =	vadd.s32 v10, v17;
	v16 =	vld [tilespmem:s31+$0x4000];
	(pc) =	sbr.rel @p1 .LBB2_6-.Ltmp2, $4  }
0x1e1: {  	s0 =	sor.u32 $0x410, s23;
	[tilespmem:v19+s9+$0x0] =	vst.idx.add.f32.msk $0xffff, v2  }
0x1e2: {  	v15 =	vld [tilespmem:s0+$0x4000]  }
0x1e3: {  	[tilespmem:v20+s9+$0x0] =	vst.idx.add.f32.msk $0xffff, v2  }
0x1e4: {  	s16 =	sadd.s32 $0x200, s16;
	s17 =	sadd.s32 $0x400, s17;
	v17 =	vld [tilespmem:s3+$0x4000]  }
0x1e5: {  	_ =	sdelay $0x1  }
0x1e6: {  	v16 =	vadd.s32 v10, v16;
	_ =	sdelay $0x1  }
0x1e7: {  	v17 =	vadd.s32 v10, v17  }
0x1e8: {  	[tilespmem:v18+s9+$0x0] =	vst.idx.add.f32.msk $0xffff, v2  }
0x1e9: {  	v18 =	vld [tilespmem:s30+$0x4000]  }
0x1ea: {  	[tilespmem:v16+s9+$0x0] =	vst.idx.add.f32.msk $0xffff, v2  }
0x1eb: {  	v16 =	vld [tilespmem:s29+$0x4000]  }
0x1ec: {  	v15 =	vadd.s32 v11, v15;
	[tilespmem:v17+s9+$0x0] =	vst.idx.add.f32.msk $0xffff, v2  }
0x1ed: {  	v17 =	vld [tilespmem:s28+$0x4000]  }
0x1ee: {  	v18 =	vadd.s32 v11, v18;
	_ =	sdelay $0x1  }
0x1ef: {  	v16 =	vadd.s32 v11, v16  }
0x1f0: {  	s0 =	sor.u32 $0x420, s23;
	[tilespmem:v15+s9+$0x0] =	vst.idx.add.f32.msk $0xffff, v2  }
0x1f1: {  	v15 =	vld [tilespmem:s0+$0x4000];
	v17 =	vadd.s32 v11, v17  }
0x1f2: {  	[tilespmem:v18+s9+$0x0] =	vst.idx.add.f32.msk $0xffff, v2  }
0x1f3: {  	v61 =	vld [tilespmem:s26+$0x4000]  }
0x1f4: {  	[tilespmem:v16+s9+$0x0] =	vst.idx.add.f32.msk $0xffff, v2  }
0x1f5: {  	v62 =	vld [tilespmem:s25+$0x4000]  }
0x1f6: {  	v15 =	vadd.s32 v12, v15;
	[tilespmem:v17+s9+$0x0] =	vst.idx.add.f32.msk $0xffff, v2  }
0x1f7: {  	v63 =	vld [tilespmem:s24+$0x4000]  }
0x1f8: {  	v16 =	vadd.s32 v12, v61;
	_ =	sdelay $0x1  }
0x1f9: {  	v17 =	vadd.s32 v12, v62  }
0x1fa: {  	s30 =	sor.u32 $0x430, s23;
	[tilespmem:v15+s9+$0x0] =	vst.idx.add.f32.msk $0xffff, v2  }
0x1fb: {  	v15 =	vld [tilespmem:s30+$0x4000];
	v18 =	vadd.s32 v12, v63  }
0x1fc: {  	[tilespmem:v16+s9+$0x0] =	vst.idx.add.f32.msk $0xffff, v2  }
0x1fd: {  	v16 =	vld [tilespmem:s22+$0x4000]  }
0x1fe: {  	[tilespmem:v17+s9+$0x0] =	vst.idx.add.f32.msk $0xffff, v2  }
0x1ff: {  	v17 =	vld [tilespmem:s21+$0x4000]  }
0x200: {  	v15 =	vadd.s32 v13, v15;
	[tilespmem:v18+s9+$0x0] =	vst.idx.add.f32.msk $0xffff, v2  }
0x201: {  	v18 =	vld [tilespmem:s20+$0x4000]  }
0x202: {  	v16 =	vadd.s32 v13, v16;
	_ =	sdelay $0x1  }
0x203: {  	v17 =	vadd.s32 v13, v17  }
0x204: {  	s31 =	sor.u32 $0x438, s23;
	[tilespmem:v15+s9+$0x0] =	vst.idx.add.f32.msk $0xffff, v2  }
0x205: {  	v15 =	vld [tilespmem:s31+$0x4000];
	v18 =	vadd.s32 v13, v18  }
0x206: {  	[tilespmem:v16+s9+$0x0] =	vst.idx.add.f32.msk $0xffff, v2  }
0x207: {  	v16 =	vld [tilespmem:s18+$0x4000]  }
0x208: {  	[tilespmem:v17+s9+$0x0] =	vst.idx.add.f32.msk $0xffff, v2  }
0x209: {  	v17 =	vld [tilespmem:s15+$0x4000]  }
0x20a: {  	[tilespmem:v18+s9+$0x0] =	vst.idx.add.f32.msk $0xffff, v2  }
0x20b: {  	v18 =	vld [tilespmem:s14+$0x4000];
	_ =	sdelay $0x1  }
0x20c: {  	v15 =	vadd.s32 v14, v15  }
0x20d: {  	v16 =	vadd.s32 v14, v16  }
0x20e: {  	v17 =	vadd.s32 v14, v17  }
0x20f: {  	v18 =	vadd.s32 v14, v18;
	_ =	sdelay $0x1  }
0x210: {  	[tilespmem:v15+s9+$0x0] =	vst.idx.add.f32.msk vm0, v2  }
0x211: {  	s12 =	sadd.s32 $0x1, s12;
	[tilespmem:v16+s9+$0x0] =	vst.idx.add.f32.msk vm0, v2  }
0x212: {  	p0 =	sne.s32 s12, s6;
	[tilespmem:v17+s9+$0x0] =	vst.idx.add.f32.msk vm0, v2  }
.Ltmp3:
0x213: {  	[tilespmem:v18+s9+$0x0] =	vst.idx.add.f32.msk vm0, v2;
	(pc) =	sbr.rel @p0 .LBB2_1-.Ltmp3, $4  }
0x214: {  	[hbm4b:s5+s2] =	stream.linear.scatter [tilespmem:s9], [sflag:$0x3], $0x6400, $0x38;
	[tilespmem:$0xE400] =	vst v63  }
0x215: {  	_ =	swait.ge [sflag:s11], $0x6400  }
0x216: {  	[sflag:s11] =	ssyncset.done $0x0  }
0x217: {  	[sflag:s11] =	ssyncadd.s32 $0xFFFF9C00  }
0x218: {  	_ =	sfence.sel $0x180000  }
0x219: {  	[bflag:$0x0] =	sbarrier.arrive $0xFFFF  }
0x21a: {  	_ =	strace $0x90000047  }
0x21b: {  	s0 =	stileid.u32;
	[bflag:$0x2] =	sbarrier.arrive $0xFFFF  }
0x21c: {  	p0 =	sne.s32 s0, $0x0;
	s0 =	rddreg [dreg:$0x1]  }
0x21d: {  	s0 =	sadd.s32 @!p0 $0x100000, s0  }
0x21e: {  	[sflag:s0] =	ssyncadd.tile.s32 @!p0 $0x1;
	_ =	shalt  }
.Lfunc_end2:
_tile_overlayer_lowered:
.L_overlay_start_2:
0x21f: {  	(tag) =	ssettag $0x2  }
0x220: {  	s0 =	rddreg [dreg:$0x0];
	s2 =	stileid.u32  }
0x221: {  	s1 =	rddreg [dreg:$0x1];
	p0 =	sne.s32 s2, $0x0  }
0x222: {  	s3 =	rddreg [dreg:$0x2];
	[bflag:$0x3] =	sbarrier.arrive $0xFFFF;
	s2 =	simm.s32 @!p0 $0x1C03  }
0x223: {  	[timem:s3], [sflag:s2] =	dma.local @!p0 [hbm:s0], s1  }
0x224: {  	s0 =	simm.s32 @!p0 $0x3  }
0x225: {  	_ =	swait.ge @!p0 [sflag:s0], s1  }
0x226: {  	s1 =	ssub.s32 @!p0 $0x0, s1;
	[sflag:s0] =	ssyncset.done @!p0 $0x0  }
0x227: {  	[sflag:s0] =	ssyncadd.s32 @!p0 s1  }
0x228: {  	[bflag:$0x3] =	sbarrier.arrive $0xFFFF  }
0x229: {  	_ =	shalt  }

</sc_bundles>
